<compile_context>
chip_gen: v7x
topology: tpu7x:2x2x1
jax: 0.10.2.dev20260603
libtpu: 0.0.44.dev20260713+nightly
codegen_flags: <defaults>
</compile_context>

<pallas_src>
import functools

import jax
import jax.numpy as jnp
from jax import lax
from jax.experimental import pallas as pl
from jax.experimental.pallas import tpu as pltpu
from jax.experimental.pallas import tpu_sc as plsc

R = 2048
N = 8192
K = N - 1 - N // 2
NW = 32
RPW = R // NW
L = 16
NV = N // L
U = 4
US = 1
NB = 256
SH = 24
HIST_W = US * L * NB

_INT_MIN_PY = -2147483648


def _make_sc_kernel():
    mesh = plsc.VectorSubcoreMesh(core_axis_name="c", subcore_axis_name="s")

    @functools.partial(
        pl.kernel,
        mesh=mesh,
        compiler_params=pltpu.CompilerParams(needs_layout_passes=False),
        out_type=jax.ShapeDtypeStruct((R,), jnp.float32),
        scratch_types=[
            pltpu.VMEM((2 * N,), jnp.float32),
            pltpu.VMEM((3 * N,), jnp.int32),
            pltpu.VMEM((HIST_W,), jnp.int32),
            pltpu.VMEM((RPW,), jnp.float32),
            pltpu.SemaphoreType.DMA,
        ],
    )
    def sc_kernel(x_hbm, out_hbm, rows_v, keys_v, hist_v, res_v, sem):
        wid = lax.axis_index("c") * 16 + lax.axis_index("s")
        base0 = wid * RPW
        lane = lax.iota(jnp.int32, L)
        zero16 = jnp.zeros((L,), jnp.int32)
        ones16 = jnp.ones((L,), jnp.int32)
        int_min = jnp.int32(_INT_MIN_PY)
        lane_nb = lane * NB

        @plsc.parallel_loop(0, HIST_W // L, unroll=4)
        def _(i):
            hist_v[pl.ds(i * L, L)] = zero16

        pltpu.async_copy(x_hbm.at[base0], rows_v.at[pl.ds(0, N)], sem)

        def load_key(off):
            xv = rows_v[pl.ds(off, L)]
            iv = plsc.bitcast(xv, jnp.int32)
            return iv ^ ((iv >> 31) & jnp.int32(0x7FFFFFFF))

        def row_body(r, carry):
            nxt = r + 1

            @pl.when(nxt < RPW)
            def _():
                pltpu.async_copy(
                    x_hbm.at[base0 + nxt],
                    rows_v.at[pl.ds((nxt % 2) * N, N)],
                    sem,
                )

            pltpu.make_async_copy(
                x_hbm.at[base0], rows_v.at[pl.ds(0, N)], sem
            ).wait()
            rb = (r % 2) * N

            @plsc.parallel_loop(0, NV, unroll=U)
            def _(i):
                ks = load_key(rb + i * L)
                du = ((ks ^ int_min) >> SH) & jnp.int32(NB - 1)
                idx = lane_nb + du
                plsc.addupdate_scatter(hist_v, [idx], ones16)

            NG = NB // L

            def tot_body(s_, tc):
                outs = []
                for i in range(NG):
                    sl = pl.ds(s_ * NB + i * L, L)
                    outs.append(tc[i] + hist_v[sl])
                    hist_v[sl] = zero16
                return tuple(outs)

            tot = plsc.parallel_loop(
                0, US * L, unroll=1, carry=(zero16,) * NG
            )(tot_body)

            kk = jnp.int32(K)
            t = [jnp.sum(tot[i]) for i in range(NG)]
            cums = []
            run = t[0]
            for i in range(1, NG):
                cums.append(run)
                run = run + t[i]
            i_star = jnp.int32(0)
            for c in cums:
                i_star = i_star + (kk >= c).astype(jnp.int32)
            tb = jnp.int32(0)
            for c in cums:
                tb = jnp.where(kk >= c, c, tb)
            pv = jnp.full((L,), i_star, jnp.int32)
            tot_sel = tot[NG - 1]
            for i in range(NG - 2, -1, -1):
                tot_sel = jnp.where(pv == i, tot[i], tot_sel)
            cum = plsc.cumsum(tot_sel) + tb
            mle = cum <= kk
            d_vec = plsc.all_reduce_population_count(mle) + i_star * L
            cum_before = jnp.max(jnp.where(mle, cum, tb))
            cum_d = jnp.min(jnp.where(mle, jnp.int32(1 << 30), cum))
            n = cum_d - cum_before
            k = kk - cum_before
            d_scalar = jnp.max(d_vec)
            p = lax.shift_left(d_scalar, jnp.int32(SH))

            dge = d_scalar >= jnp.int32(NB // 2)
            a_s = jnp.where(
                dge,
                lax.shift_left(d_scalar - jnp.int32(NB // 2), jnp.int32(SH)),
                -lax.shift_left(d_scalar + jnp.int32(1), jnp.int32(SH)),
            )
            b_s = jnp.where(
                dge,
                lax.shift_left(d_scalar - jnp.int32(NB // 2 - 1), jnp.int32(SH)),
                -lax.shift_left(d_scalar, jnp.int32(SH)),
            )
            a_v = jnp.full((L,), a_s, jnp.int32)
            b_v = jnp.full((L,), b_s, jnp.int32)

            def compact_body(i, vw):
                xv = rows_v[pl.ds(rb + i * L, L)]
                iv = plsc.bitcast(xv, jnp.int32)
                m = (iv >= a_v) & (iv < b_v)
                pos = vw + plsc.cumsum(m.astype(jnp.int32)) - 1
                plsc.store_scatter(keys_v, [pos], iv, mask=m)
                return vw + plsc.all_reduce_population_count(m)

            plsc.parallel_loop(0, NV, unroll=U, carry=zero16)(compact_body)

            sb0 = jnp.int32(0)
            ab0 = jnp.int32(N)
            bb0 = jnp.int32(2 * N)
            b0 = jnp.int32(SH - 1)

            def level_cond(bc):
                _, _, n, _, _, _, b = bc
                return (n > L) & (b >= 0)

            def level(bc):
                p, k, n, sb, ab, bb, b = bc
                cand = p | lax.shift_left(jnp.int32(1), b)
                ccmp = cand ^ int_min
                nv = (n + L - 1) // L

                def level_pass(j, vc):
                    accv, va, vb = vc
                    iv = keys_v[pl.ds(sb + j * L, L)]
                    ks = iv ^ ((iv >> 31) & jnp.int32(0x7FFFFFFF))
                    valid = (j * L + lane) < n
                    ml = (ks < ccmp) & valid
                    mh = valid & ~ml
                    il = ml.astype(jnp.int32)
                    posa = va + plsc.cumsum(il) - 1
                    posb = vb + plsc.cumsum(mh.astype(jnp.int32)) - 1
                    plsc.store_scatter(keys_v, [posa], iv, mask=ml)
                    plsc.store_scatter(keys_v, [posb], iv, mask=mh)
                    return (
                        accv + il,
                        va + plsc.all_reduce_population_count(ml),
                        vb + plsc.all_reduce_population_count(mh),
                    )

                acc = plsc.parallel_loop(
                    0, nv, unroll=2,
                    carry=(zero16,
                           jnp.full((L,), ab, jnp.int32),
                           jnp.full((L,), bb, jnp.int32)),
                )(level_pass)
                c = jnp.sum(acc[0])
                low = k < c
                p2 = lax.select(low, p, cand)
                k2 = lax.select(low, k, k - c)
                n2 = lax.select(low, c, n - c)
                sb2 = lax.select(low, ab, bb)
                bb2 = lax.select(low, bb, ab)
                return p2, k2, n2, sb2, sb, bb2, b - 1

            p, k, n, sb, _, _, b = lax.while_loop(
                level_cond, level, (p, k, n, sb0, ab0, bb0, b0)
            )

            def tail():
                iv = keys_v[pl.ds(sb, L)]
                ks = iv ^ ((iv >> 31) & jnp.int32(0x7FFFFFFF))
                ks = jnp.where(lane < n, ks, jnp.int32(0x7FFFFFFF))
                srt = lax.sort(ks)
                kv = jnp.take_along_axis(
                    srt, jnp.full((L,), k, jnp.int32), axis=0,
                    mode="promise_in_bounds",
                )
                return plsc.bitcast(
                    kv ^ ((kv >> 31) & jnp.int32(0x7FFFFFFF)), jnp.float32
                )

            def from_prefix():
                pos = p < jnp.int32(0)
                fbits = lax.select(pos, p ^ int_min, ~p)
                return jnp.full(
                    (L,), lax.bitcast_convert_type(fbits, jnp.float32)
                )

            val = lax.cond(n <= L, tail, from_prefix)

            plsc.store_scatter(
                res_v,
                [jnp.full((L,), r, jnp.int32)],
                val,
                mask=lane == jnp.int32(0),
            )
            return carry

        lax.fori_loop(0, RPW, row_body, jnp.int32(0))
        pltpu.sync_copy(res_v, out_hbm.at[pl.ds(wid * RPW, RPW)])

    return sc_kernel


_sc_kernel = _make_sc_kernel()


def kernel(x):
    B0, B1, n = x.shape
    flat = _sc_kernel(x.reshape(B0 * B1, n))
    return flat.reshape(B0, B1)

# --- scband reference (transcript-rebuilt; emitter-appended) ---
"""Pipeline reference for scband-recycle-dual-point-9148280340503 (READ-ONLY COPY).

The authoritative reference and input builder live on the scoring server;
editing this copy changes nothing except your own understanding.
"""

import jax, jax.numpy as jnp
import numpy as np


def setup_inputs(seed: int = 0) -> dict:
    key = jax.random.key(seed)
    x = jax.random.normal(key, (64, 32, 8192), dtype=jnp.float32)
    return {"x": x}


def reference(x):
    # torch: x_sort, _ = torch.sort(x, dim=2, descending=True)
    # jnp.sort is ascending; flip along the sorted axis for descending order.
    x_sort = jnp.flip(jnp.sort(x, axis=2), axis=2)
    # Original module picks random.randint(1, N-1); we fix the index
    # deterministically to N // 2 (a valid draw in [1, N-1]) for reproducibility.
    idx = x.shape[2] // 2
    recycle_point = x_sort[:, :, idx]
    return recycle_point

if __name__ == "__main__":
    import jax
    _d = setup_inputs()
    print(jax.jit(kernel)(*tuple(_d.values())))

</pallas_src>

<mosaic_0001>
#map = affine_map<(d0, d1) -> (0, 0)>
#map1 = affine_map<(d0, d1) -> (0)>
module attributes {stable_mosaic.version = 14 : i64} {
  func.func @sc_kernel(%arg0: i32, %arg1: i32, %arg2: memref<2048x8192xf32, #tpu.memory_space<hbm>>, %arg3: memref<2048xf32, #tpu.memory_space<hbm>>, %arg4: memref<16384xf32, #tpu.memory_space<vmem>>, %arg5: memref<24576xi32, #tpu.memory_space<vmem>>, %arg6: memref<4096xi32, #tpu.memory_space<vmem>>, %arg7: memref<64xf32, #tpu.memory_space<vmem>>, %arg8: memref<!tpu.dma_semaphore, #tpu.memory_space<semaphore_mem>>) attributes {dimension_semantics = [#tpu.dimension_semantics<core_parallel>, #tpu.dimension_semantics<subcore_parallel>], iteration_bounds = array<i64: 2, 16>, scalar_prefetch = 0 : i64, scratch_operands = 5 : i64, tpu.core_type = #tpu.core_type<sc_vector_subcore>, window_params = [{transform_indices = #map}, {transform_indices = #map1}]} {
    %mul3A = arith.constant 16 : i32
    %mul3A_0 = arith.muli %arg0, %mul3A : i32
    %add3A = arith.addi %mul3A_0, %arg1 : i32
    %mul3A_1 = arith.constant 64 : i32
    %mul3A_2 = arith.muli %add3A, %mul3A_1 : i32
    %iota3A = tpu.iota {dimensions = array<i32: 0>} : vector<16xi32>
    %broadcast_in_dim3A = arith.constant 0 : i32
    %broadcast_in_dim3A_3 = vector.broadcast %broadcast_in_dim3A : i32 to vector<16xi32>
    %broadcast_in_dim3A_4 = arith.constant 1 : i32
    %broadcast_in_dim3A_5 = vector.broadcast %broadcast_in_dim3A_4 : i32 to vector<16xi32>
    %mul3A_6 = arith.constant 256 : i32
    %mul3A_7 = vector.broadcast %mul3A_6 : i32 to vector<16xi32>
    %mul3A_8 = arith.muli %iota3A, %mul3A_7 : vector<16xi32>
    %parallel_loop3A = arith.constant 0 : i32
    %parallel_loop3A_9 = arith.constant 256 : i32
    %parallel_loop3A_10 = arith.constant 1 : i32
    scf.for %parallel_loop3A_28 = %parallel_loop3A to %parallel_loop3A_9 step %parallel_loop3A_10  : i32 {
      %parallel_loop3A_29 = arith.constant 16 : i32
      %parallel_loop3A_30 = arith.muli %parallel_loop3A_28, %parallel_loop3A_29 : i32
      %parallel_loop3A_31 = arith.index_cast %parallel_loop3A_30 : i32 to index
      %parallel_loop3A_32 = tpu.vector_load %arg6[%parallel_loop3A_31] {strides = array<i32>} : memref<4096xi32, #tpu.memory_space<vmem>>, vector<16xi32>,
      tpu.vector_store %arg6[%parallel_loop3A_31], %broadcast_in_dim3A_3 {strides = array<i32>} : memref<4096xi32, #tpu.memory_space<vmem>>, vector<16xi32>,
    } {sc.loop_unroll_factor = 4 : i64, sc.parallel_access}
    %dma_start3A = arith.constant 0 : i32
    %dma_start3A_11 = tpu.memref_slice %arg4[%dma_start3A] : memref<16384xf32, #tpu.memory_space<vmem>> -> memref<8192xf32, #tpu.memory_space<vmem>>
    %dma_start3A_12 = arith.constant 0 : i32
    %dma_start3A_13 = tpu.memref_slice %arg2[%mul3A_2, %dma_start3A_12] : memref<2048x8192xf32, #tpu.memory_space<hbm>> -> memref<1x8192xf32, #tpu.memory_space<hbm>>
    %dma_start3A_14 = tpu.memref_squeeze %dma_start3A_13 : memref<1x8192xf32, #tpu.memory_space<hbm>> -> memref<8192xf32, #tpu.memory_space<hbm>>
    %dma_start3A_15 = arith.constant 0 : i32
    %dma_start3A_16 = tpu.memref_slice %arg4[%dma_start3A_15] : memref<16384xf32, #tpu.memory_space<vmem>> -> memref<8192xf32, #tpu.memory_space<vmem>>
    %dma_start3A_17 = arith.constant 0 : i32
    %dma_start3A_18 = tpu.memref_slice %arg2[%mul3A_2, %dma_start3A_17] : memref<2048x8192xf32, #tpu.memory_space<hbm>> -> memref<1x8192xf32, #tpu.memory_space<hbm>>
    %dma_start3A_19 = tpu.memref_squeeze %dma_start3A_18 : memref<1x8192xf32, #tpu.memory_space<hbm>> -> memref<8192xf32, #tpu.memory_space<hbm>>
    tpu.enqueue_dma source(%dma_start3A_19 : memref<8192xf32, #tpu.memory_space<hbm>>) target(%dma_start3A_16 : memref<8192xf32, #tpu.memory_space<vmem>>) target_semaphore(%arg8 : memref<!tpu.dma_semaphore, #tpu.memory_space<semaphore_mem>>)
    %scan3A = arith.constant 0 : i32
    %scan3A_20 = arith.constant -2147483648 : i32
    %scan3A_21 = arith.constant 0 : i32
    %scan3A_22 = arith.constant 64 : i32
    %scan3A_23 = arith.addi %scan3A_21, %scan3A_22 : i32
    %scan3A_24 = arith.constant 1 : i32
    scf.for %scan3A_28 = %scan3A_21 to %scan3A_23 step %scan3A_24  : i32 {
      %add3A_29 = arith.constant 1 : i32
      %add3A_30 = arith.addi %scan3A_28, %add3A_29 : i32
      %lt3A = arith.constant 64 : i32
      %lt3A_31 = arith.cmpi slt, %add3A_30, %lt3A : i32
      %convert_element_type3A = arith.extui %lt3A_31 : i1 to i32
      %cond3A = arith.constant 0 : i32
      %cond3A_32 = arith.cmpi ne, %convert_element_type3A, %cond3A : i32
      scf.if %cond3A_32 {
        %add3A_387 = arith.addi %mul3A_2, %add3A_30 : i32
        %jit3A_388 = arith.constant 2 : i32
        %eq3A_389 = arith.constant 0 : i32
        %eq3A_390 = arith.cmpi eq, %jit3A_388, %eq3A_389 : i32
        %jit3A_391 = arith.constant 1 : i32
        %select_n3A_392 = arith.select %eq3A_390, %jit3A_391, %jit3A_388 : i32
        %rem3A_393 = arith.remsi %add3A_30, %select_n3A_392 : i32
        %ne3A_394 = arith.constant 0 : i32
        %ne3A_395 = arith.cmpi ne, %rem3A_393, %ne3A_394 : i32
        %lt3A_396 = arith.constant 0 : i32
        %lt3A_397 = arith.cmpi slt, %rem3A_393, %lt3A_396 : i32
        %lt3A_398 = arith.constant 0 : i32
        %lt3A_399 = arith.cmpi slt, %select_n3A_392, %lt3A_398 : i32
        %ne3A_400 = arith.xori %lt3A_397, %lt3A_399 : i1
        %and3A_401 = arith.andi %ne3A_400, %ne3A_395 : i1
        %add3A_402 = arith.addi %rem3A_393, %select_n3A_392 : i32
        %select_n3A_403 = arith.select %and3A_401, %add3A_402, %rem3A_393 : i32
        %mul3A_404 = arith.constant 8192 : i32
        %mul3A_405 = arith.muli %select_n3A_403, %mul3A_404 : i32
        %dma_start3A_406 = tpu.memref_slice %arg4[%mul3A_405] : memref<16384xf32, #tpu.memory_space<vmem>> -> memref<8192xf32, #tpu.memory_space<vmem>>
        %dma_start3A_407 = arith.constant 0 : i32
        %dma_start3A_408 = tpu.memref_slice %arg2[%add3A_387, %dma_start3A_407] : memref<2048x8192xf32, #tpu.memory_space<hbm>> -> memref<1x8192xf32, #tpu.memory_space<hbm>>
        %dma_start3A_409 = tpu.memref_squeeze %dma_start3A_408 : memref<1x8192xf32, #tpu.memory_space<hbm>> -> memref<8192xf32, #tpu.memory_space<hbm>>
        %dma_start3A_410 = tpu.memref_slice %arg4[%mul3A_405] : memref<16384xf32, #tpu.memory_space<vmem>> -> memref<8192xf32, #tpu.memory_space<vmem>>
        %dma_start3A_411 = arith.constant 0 : i32
        %dma_start3A_412 = tpu.memref_slice %arg2[%add3A_387, %dma_start3A_411] : memref<2048x8192xf32, #tpu.memory_space<hbm>> -> memref<1x8192xf32, #tpu.memory_space<hbm>>
        %dma_start3A_413 = tpu.memref_squeeze %dma_start3A_412 : memref<1x8192xf32, #tpu.memory_space<hbm>> -> memref<8192xf32, #tpu.memory_space<hbm>>
        tpu.enqueue_dma source(%dma_start3A_413 : memref<8192xf32, #tpu.memory_space<hbm>>) target(%dma_start3A_410 : memref<8192xf32, #tpu.memory_space<vmem>>) target_semaphore(%arg8 : memref<!tpu.dma_semaphore, #tpu.memory_space<semaphore_mem>>)
      } else {
      }
      %dma_wait3A = arith.constant 0 : i32
      %dma_wait3A_33 = tpu.memref_slice %arg4[%dma_wait3A] : memref<16384xf32, #tpu.memory_space<vmem>> -> memref<8192xf32, #tpu.memory_space<vmem>>
      %dma_wait3A_34 = arith.constant 0 : i32
      %dma_wait3A_35 = tpu.memref_slice %arg2[%mul3A_2, %dma_wait3A_34] : memref<2048x8192xf32, #tpu.memory_space<hbm>> -> memref<1x8192xf32, #tpu.memory_space<hbm>>
      %dma_wait3A_36 = tpu.memref_squeeze %dma_wait3A_35 : memref<1x8192xf32, #tpu.memory_space<hbm>> -> memref<8192xf32, #tpu.memory_space<hbm>>
      %dma_wait3A_37 = arith.constant 0 : i32
      %dma_wait3A_38 = tpu.memref_slice %arg4[%dma_wait3A_37] : memref<16384xf32, #tpu.memory_space<vmem>> -> memref<8192xf32, #tpu.memory_space<vmem>>
      %dma_wait3A_39 = arith.constant 0 : i32
      %dma_wait3A_40 = tpu.memref_slice %arg2[%mul3A_2, %dma_wait3A_39] : memref<2048x8192xf32, #tpu.memory_space<hbm>> -> memref<1x8192xf32, #tpu.memory_space<hbm>>
      %dma_wait3A_41 = tpu.memref_squeeze %dma_wait3A_40 : memref<1x8192xf32, #tpu.memory_space<hbm>> -> memref<8192xf32, #tpu.memory_space<hbm>>
      tpu.wait_dma2 semaphore(%arg8 : memref<!tpu.dma_semaphore, #tpu.memory_space<semaphore_mem>>) src(%dma_wait3A_41 : memref<8192xf32, #tpu.memory_space<hbm>>) dst(%dma_wait3A_38 : memref<8192xf32, #tpu.memory_space<vmem>>)
      %jit3A = arith.constant 2 : i32
      %eq3A = arith.constant 0 : i32
      %eq3A_42 = arith.cmpi eq, %jit3A, %eq3A : i32
      %jit3A_43 = arith.constant 1 : i32
      %select_n3A = arith.select %eq3A_42, %jit3A_43, %jit3A : i32
      %rem3A = arith.remsi %scan3A_28, %select_n3A : i32
      %ne3A = arith.constant 0 : i32
      %ne3A_44 = arith.cmpi ne, %rem3A, %ne3A : i32
      %lt3A_45 = arith.constant 0 : i32
      %lt3A_46 = arith.cmpi slt, %rem3A, %lt3A_45 : i32
      %lt3A_47 = arith.constant 0 : i32
      %lt3A_48 = arith.cmpi slt, %select_n3A, %lt3A_47 : i32
      %ne3A_49 = arith.xori %lt3A_46, %lt3A_48 : i1
      %and3A = arith.andi %ne3A_49, %ne3A_44 : i1
      %add3A_50 = arith.addi %rem3A, %select_n3A : i32
      %select_n3A_51 = arith.select %and3A, %add3A_50, %rem3A : i32
      %mul3A_52 = arith.constant 8192 : i32
      %mul3A_53 = arith.muli %select_n3A_51, %mul3A_52 : i32
      %parallel_loop3A_54 = arith.constant 0 : i32
      %parallel_loop3A_55 = arith.constant 512 : i32
      %parallel_loop3A_56 = arith.constant 1 : i32
      scf.for %parallel_loop3A_387 = %parallel_loop3A_54 to %parallel_loop3A_55 step %parallel_loop3A_56  : i32 {
        %parallel_loop3A_388 = arith.constant 16 : i32
        %parallel_loop3A_389 = arith.muli %parallel_loop3A_387, %parallel_loop3A_388 : i32
        %parallel_loop3A_390 = arith.addi %mul3A_53, %parallel_loop3A_389 : i32
        %parallel_loop3A_391 = arith.index_cast %parallel_loop3A_390 : i32 to index
        %parallel_loop3A_392 = tpu.vector_load %arg4[%parallel_loop3A_391] {strides = array<i32>} : memref<16384xf32, #tpu.memory_space<vmem>>, vector<16xf32>,
        %parallel_loop3A_393 = vector.bitcast %parallel_loop3A_392 : vector<16xf32> to vector<16xi32>
        %parallel_loop3A_394 = arith.constant 31 : i32
        %parallel_loop3A_395 = vector.broadcast %parallel_loop3A_394 : i32 to vector<16xi32>
        %parallel_loop3A_396 = arith.shrsi %parallel_loop3A_393, %parallel_loop3A_395 : vector<16xi32>
        %parallel_loop3A_397 = arith.constant 2147483647 : i32
        %parallel_loop3A_398 = vector.broadcast %parallel_loop3A_397 : i32 to vector<16xi32>
        %parallel_loop3A_399 = arith.andi %parallel_loop3A_396, %parallel_loop3A_398 : vector<16xi32>
        %parallel_loop3A_400 = arith.xori %parallel_loop3A_393, %parallel_loop3A_399 : vector<16xi32>
        %parallel_loop3A_401 = vector.broadcast %scan3A_20 : i32 to vector<16xi32>
        %parallel_loop3A_402 = arith.xori %parallel_loop3A_400, %parallel_loop3A_401 : vector<16xi32>
        %parallel_loop3A_403 = arith.constant 24 : i32
        %parallel_loop3A_404 = vector.broadcast %parallel_loop3A_403 : i32 to vector<16xi32>
        %parallel_loop3A_405 = arith.shrsi %parallel_loop3A_402, %parallel_loop3A_404 : vector<16xi32>
        %parallel_loop3A_406 = arith.constant 255 : i32
        %parallel_loop3A_407 = vector.broadcast %parallel_loop3A_406 : i32 to vector<16xi32>
        %parallel_loop3A_408 = arith.andi %parallel_loop3A_405, %parallel_loop3A_407 : vector<16xi32>
        %parallel_loop3A_409 = arith.addi %mul3A_8, %parallel_loop3A_408 : vector<16xi32>
        tpu.vector_store_idx %arg6[%parallel_loop3A_409], %broadcast_in_dim3A_5 {add = true} : memref<4096xi32, #tpu.memory_space<vmem>>[vector<16xi32>], vector<16xi32>,
      } {sc.loop_unroll_factor = 4 : i64, sc.parallel_access}
      %parallel_loop3A_57 = arith.constant 0 : i32
      %parallel_loop3A_58 = arith.constant 16 : i32
      %parallel_loop3A_59 = arith.constant 1 : i32
      %parallel_loop3A_60:16 = scf.for %parallel_loop3A_387 = %parallel_loop3A_57 to %parallel_loop3A_58 step %parallel_loop3A_59 iter_args(%parallel_loop3A_388 = %broadcast_in_dim3A_3, %parallel_loop3A_389 = %broadcast_in_dim3A_3, %parallel_loop3A_390 = %broadcast_in_dim3A_3, %parallel_loop3A_391 = %broadcast_in_dim3A_3, %parallel_loop3A_392 = %broadcast_in_dim3A_3, %parallel_loop3A_393 = %broadcast_in_dim3A_3, %parallel_loop3A_394 = %broadcast_in_dim3A_3, %parallel_loop3A_395 = %broadcast_in_dim3A_3, %parallel_loop3A_396 = %broadcast_in_dim3A_3, %parallel_loop3A_397 = %broadcast_in_dim3A_3, %parallel_loop3A_398 = %broadcast_in_dim3A_3, %parallel_loop3A_399 = %broadcast_in_dim3A_3, %parallel_loop3A_400 = %broadcast_in_dim3A_3, %parallel_loop3A_401 = %broadcast_in_dim3A_3, %parallel_loop3A_402 = %broadcast_in_dim3A_3, %parallel_loop3A_403 = %broadcast_in_dim3A_3) -> (vector<16xi32>, vector<16xi32>, vector<16xi32>, vector<16xi32>, vector<16xi32>, vector<16xi32>, vector<16xi32>, vector<16xi32>, vector<16xi32>, vector<16xi32>, vector<16xi32>, vector<16xi32>, vector<16xi32>, vector<16xi32>, vector<16xi32>, vector<16xi32>)  : i32 {
        %parallel_loop3A_404 = arith.constant 256 : i32
        %parallel_loop3A_405 = arith.muli %parallel_loop3A_387, %parallel_loop3A_404 : i32
        %parallel_loop3A_406 = arith.constant 0 : i32
        %parallel_loop3A_407 = arith.addi %parallel_loop3A_405, %parallel_loop3A_406 : i32
        %parallel_loop3A_408 = arith.index_cast %parallel_loop3A_407 : i32 to index
        %parallel_loop3A_409 = tpu.vector_load %arg6[%parallel_loop3A_408] {strides = array<i32>} : memref<4096xi32, #tpu.memory_space<vmem>>, vector<16xi32>,
        %parallel_loop3A_410 = arith.addi %parallel_loop3A_388, %parallel_loop3A_409 : vector<16xi32>
        %parallel_loop3A_411 = arith.index_cast %parallel_loop3A_407 : i32 to index
        %parallel_loop3A_412 = tpu.vector_load %arg6[%parallel_loop3A_411] {strides = array<i32>} : memref<4096xi32, #tpu.memory_space<vmem>>, vector<16xi32>,
        tpu.vector_store %arg6[%parallel_loop3A_411], %broadcast_in_dim3A_3 {strides = array<i32>} : memref<4096xi32, #tpu.memory_space<vmem>>, vector<16xi32>,
        %parallel_loop3A_413 = arith.constant 256 : i32
        %parallel_loop3A_414 = arith.muli %parallel_loop3A_387, %parallel_loop3A_413 : i32
        %parallel_loop3A_415 = arith.constant 16 : i32
        %parallel_loop3A_416 = arith.addi %parallel_loop3A_414, %parallel_loop3A_415 : i32
        %parallel_loop3A_417 = arith.index_cast %parallel_loop3A_416 : i32 to index
        %parallel_loop3A_418 = tpu.vector_load %arg6[%parallel_loop3A_417] {strides = array<i32>} : memref<4096xi32, #tpu.memory_space<vmem>>, vector<16xi32>,
        %parallel_loop3A_419 = arith.addi %parallel_loop3A_389, %parallel_loop3A_418 : vector<16xi32>
        %parallel_loop3A_420 = arith.index_cast %parallel_loop3A_416 : i32 to index
        %parallel_loop3A_421 = tpu.vector_load %arg6[%parallel_loop3A_420] {strides = array<i32>} : memref<4096xi32, #tpu.memory_space<vmem>>, vector<16xi32>,
        tpu.vector_store %arg6[%parallel_loop3A_420], %broadcast_in_dim3A_3 {strides = array<i32>} : memref<4096xi32, #tpu.memory_space<vmem>>, vector<16xi32>,
        %parallel_loop3A_422 = arith.constant 256 : i32
        %parallel_loop3A_423 = arith.muli %parallel_loop3A_387, %parallel_loop3A_422 : i32
        %parallel_loop3A_424 = arith.constant 32 : i32
        %parallel_loop3A_425 = arith.addi %parallel_loop3A_423, %parallel_loop3A_424 : i32
        %parallel_loop3A_426 = arith.index_cast %parallel_loop3A_425 : i32 to index
        %parallel_loop3A_427 = tpu.vector_load %arg6[%parallel_loop3A_426] {strides = array<i32>} : memref<4096xi32, #tpu.memory_space<vmem>>, vector<16xi32>,
        %parallel_loop3A_428 = arith.addi %parallel_loop3A_390, %parallel_loop3A_427 : vector<16xi32>
        %parallel_loop3A_429 = arith.index_cast %parallel_loop3A_425 : i32 to index
        %parallel_loop3A_430 = tpu.vector_load %arg6[%parallel_loop3A_429] {strides = array<i32>} : memref<4096xi32, #tpu.memory_space<vmem>>, vector<16xi32>,
        tpu.vector_store %arg6[%parallel_loop3A_429], %broadcast_in_dim3A_3 {strides = array<i32>} : memref<4096xi32, #tpu.memory_space<vmem>>, vector<16xi32>,
        %parallel_loop3A_431 = arith.constant 256 : i32
        %parallel_loop3A_432 = arith.muli %parallel_loop3A_387, %parallel_loop3A_431 : i32
        %parallel_loop3A_433 = arith.constant 48 : i32
        %parallel_loop3A_434 = arith.addi %parallel_loop3A_432, %parallel_loop3A_433 : i32
        %parallel_loop3A_435 = arith.index_cast %parallel_loop3A_434 : i32 to index
        %parallel_loop3A_436 = tpu.vector_load %arg6[%parallel_loop3A_435] {strides = array<i32>} : memref<4096xi32, #tpu.memory_space<vmem>>, vector<16xi32>,
        %parallel_loop3A_437 = arith.addi %parallel_loop3A_391, %parallel_loop3A_436 : vector<16xi32>
        %parallel_loop3A_438 = arith.index_cast %parallel_loop3A_434 : i32 to index
        %parallel_loop3A_439 = tpu.vector_load %arg6[%parallel_loop3A_438] {strides = array<i32>} : memref<4096xi32, #tpu.memory_space<vmem>>, vector<16xi32>,
        tpu.vector_store %arg6[%parallel_loop3A_438], %broadcast_in_dim3A_3 {strides = array<i32>} : memref<4096xi32, #tpu.memory_space<vmem>>, vector<16xi32>,
        %parallel_loop3A_440 = arith.constant 256 : i32
        %parallel_loop3A_441 = arith.muli %parallel_loop3A_387, %parallel_loop3A_440 : i32
        %parallel_loop3A_442 = arith.constant 64 : i32
        %parallel_loop3A_443 = arith.addi %parallel_loop3A_441, %parallel_loop3A_442 : i32
        %parallel_loop3A_444 = arith.index_cast %parallel_loop3A_443 : i32 to index
        %parallel_loop3A_445 = tpu.vector_load %arg6[%parallel_loop3A_444] {strides = array<i32>} : memref<4096xi32, #tpu.memory_space<vmem>>, vector<16xi32>,
        %parallel_loop3A_446 = arith.addi %parallel_loop3A_392, %parallel_loop3A_445 : vector<16xi32>
        %parallel_loop3A_447 = arith.index_cast %parallel_loop3A_443 : i32 to index
        %parallel_loop3A_448 = tpu.vector_load %arg6[%parallel_loop3A_447] {strides = array<i32>} : memref<4096xi32, #tpu.memory_space<vmem>>, vector<16xi32>,
        tpu.vector_store %arg6[%parallel_loop3A_447], %broadcast_in_dim3A_3 {strides = array<i32>} : memref<4096xi32, #tpu.memory_space<vmem>>, vector<16xi32>,
        %parallel_loop3A_449 = arith.constant 256 : i32
        %parallel_loop3A_450 = arith.muli %parallel_loop3A_387, %parallel_loop3A_449 : i32
        %parallel_loop3A_451 = arith.constant 80 : i32
        %parallel_loop3A_452 = arith.addi %parallel_loop3A_450, %parallel_loop3A_451 : i32
        %parallel_loop3A_453 = arith.index_cast %parallel_loop3A_452 : i32 to index
        %parallel_loop3A_454 = tpu.vector_load %arg6[%parallel_loop3A_453] {strides = array<i32>} : memref<4096xi32, #tpu.memory_space<vmem>>, vector<16xi32>,
        %parallel_loop3A_455 = arith.addi %parallel_loop3A_393, %parallel_loop3A_454 : vector<16xi32>
        %parallel_loop3A_456 = arith.index_cast %parallel_loop3A_452 : i32 to index
        %parallel_loop3A_457 = tpu.vector_load %arg6[%parallel_loop3A_456] {strides = array<i32>} : memref<4096xi32, #tpu.memory_space<vmem>>, vector<16xi32>,
        tpu.vector_store %arg6[%parallel_loop3A_456], %broadcast_in_dim3A_3 {strides = array<i32>} : memref<4096xi32, #tpu.memory_space<vmem>>, vector<16xi32>,
        %parallel_loop3A_458 = arith.constant 256 : i32
        %parallel_loop3A_459 = arith.muli %parallel_loop3A_387, %parallel_loop3A_458 : i32
        %parallel_loop3A_460 = arith.constant 96 : i32
        %parallel_loop3A_461 = arith.addi %parallel_loop3A_459, %parallel_loop3A_460 : i32
        %parallel_loop3A_462 = arith.index_cast %parallel_loop3A_461 : i32 to index
        %parallel_loop3A_463 = tpu.vector_load %arg6[%parallel_loop3A_462] {strides = array<i32>} : memref<4096xi32, #tpu.memory_space<vmem>>, vector<16xi32>,
        %parallel_loop3A_464 = arith.addi %parallel_loop3A_394, %parallel_loop3A_463 : vector<16xi32>
        %parallel_loop3A_465 = arith.index_cast %parallel_loop3A_461 : i32 to index
        %parallel_loop3A_466 = tpu.vector_load %arg6[%parallel_loop3A_465] {strides = array<i32>} : memref<4096xi32, #tpu.memory_space<vmem>>, vector<16xi32>,
        tpu.vector_store %arg6[%parallel_loop3A_465], %broadcast_in_dim3A_3 {strides = array<i32>} : memref<4096xi32, #tpu.memory_space<vmem>>, vector<16xi32>,
        %parallel_loop3A_467 = arith.constant 256 : i32
        %parallel_loop3A_468 = arith.muli %parallel_loop3A_387, %parallel_loop3A_467 : i32
        %parallel_loop3A_469 = arith.constant 112 : i32
        %parallel_loop3A_470 = arith.addi %parallel_loop3A_468, %parallel_loop3A_469 : i32
        %parallel_loop3A_471 = arith.index_cast %parallel_loop3A_470 : i32 to index
        %parallel_loop3A_472 = tpu.vector_load %arg6[%parallel_loop3A_471] {strides = array<i32>} : memref<4096xi32, #tpu.memory_space<vmem>>, vector<16xi32>,
        %parallel_loop3A_473 = arith.addi %parallel_loop3A_395, %parallel_loop3A_472 : vector<16xi32>
        %parallel_loop3A_474 = arith.index_cast %parallel_loop3A_470 : i32 to index
        %parallel_loop3A_475 = tpu.vector_load %arg6[%parallel_loop3A_474] {strides = array<i32>} : memref<4096xi32, #tpu.memory_space<vmem>>, vector<16xi32>,
        tpu.vector_store %arg6[%parallel_loop3A_474], %broadcast_in_dim3A_3 {strides = array<i32>} : memref<4096xi32, #tpu.memory_space<vmem>>, vector<16xi32>,
        %parallel_loop3A_476 = arith.constant 256 : i32
        %parallel_loop3A_477 = arith.muli %parallel_loop3A_387, %parallel_loop3A_476 : i32
        %parallel_loop3A_478 = arith.constant 128 : i32
        %parallel_loop3A_479 = arith.addi %parallel_loop3A_477, %parallel_loop3A_478 : i32
        %parallel_loop3A_480 = arith.index_cast %parallel_loop3A_479 : i32 to index
        %parallel_loop3A_481 = tpu.vector_load %arg6[%parallel_loop3A_480] {strides = array<i32>} : memref<4096xi32, #tpu.memory_space<vmem>>, vector<16xi32>,
        %parallel_loop3A_482 = arith.addi %parallel_loop3A_396, %parallel_loop3A_481 : vector<16xi32>
        %parallel_loop3A_483 = arith.index_cast %parallel_loop3A_479 : i32 to index
        %parallel_loop3A_484 = tpu.vector_load %arg6[%parallel_loop3A_483] {strides = array<i32>} : memref<4096xi32, #tpu.memory_space<vmem>>, vector<16xi32>,
        tpu.vector_store %arg6[%parallel_loop3A_483], %broadcast_in_dim3A_3 {strides = array<i32>} : memref<4096xi32, #tpu.memory_space<vmem>>, vector<16xi32>,
        %parallel_loop3A_485 = arith.constant 256 : i32
        %parallel_loop3A_486 = arith.muli %parallel_loop3A_387, %parallel_loop3A_485 : i32
        %parallel_loop3A_487 = arith.constant 144 : i32
        %parallel_loop3A_488 = arith.addi %parallel_loop3A_486, %parallel_loop3A_487 : i32
        %parallel_loop3A_489 = arith.index_cast %parallel_loop3A_488 : i32 to index
        %parallel_loop3A_490 = tpu.vector_load %arg6[%parallel_loop3A_489] {strides = array<i32>} : memref<4096xi32, #tpu.memory_space<vmem>>, vector<16xi32>,
        %parallel_loop3A_491 = arith.addi %parallel_loop3A_397, %parallel_loop3A_490 : vector<16xi32>
        %parallel_loop3A_492 = arith.index_cast %parallel_loop3A_488 : i32 to index
        %parallel_loop3A_493 = tpu.vector_load %arg6[%parallel_loop3A_492] {strides = array<i32>} : memref<4096xi32, #tpu.memory_space<vmem>>, vector<16xi32>,
        tpu.vector_store %arg6[%parallel_loop3A_492], %broadcast_in_dim3A_3 {strides = array<i32>} : memref<4096xi32, #tpu.memory_space<vmem>>, vector<16xi32>,
        %parallel_loop3A_494 = arith.constant 256 : i32
        %parallel_loop3A_495 = arith.muli %parallel_loop3A_387, %parallel_loop3A_494 : i32
        %parallel_loop3A_496 = arith.constant 160 : i32
        %parallel_loop3A_497 = arith.addi %parallel_loop3A_495, %parallel_loop3A_496 : i32
        %parallel_loop3A_498 = arith.index_cast %parallel_loop3A_497 : i32 to index
        %parallel_loop3A_499 = tpu.vector_load %arg6[%parallel_loop3A_498] {strides = array<i32>} : memref<4096xi32, #tpu.memory_space<vmem>>, vector<16xi32>,
        %parallel_loop3A_500 = arith.addi %parallel_loop3A_398, %parallel_loop3A_499 : vector<16xi32>
        %parallel_loop3A_501 = arith.index_cast %parallel_loop3A_497 : i32 to index
        %parallel_loop3A_502 = tpu.vector_load %arg6[%parallel_loop3A_501] {strides = array<i32>} : memref<4096xi32, #tpu.memory_space<vmem>>, vector<16xi32>,
        tpu.vector_store %arg6[%parallel_loop3A_501], %broadcast_in_dim3A_3 {strides = array<i32>} : memref<4096xi32, #tpu.memory_space<vmem>>, vector<16xi32>,
        %parallel_loop3A_503 = arith.constant 256 : i32
        %parallel_loop3A_504 = arith.muli %parallel_loop3A_387, %parallel_loop3A_503 : i32
        %parallel_loop3A_505 = arith.constant 176 : i32
        %parallel_loop3A_506 = arith.addi %parallel_loop3A_504, %parallel_loop3A_505 : i32
        %parallel_loop3A_507 = arith.index_cast %parallel_loop3A_506 : i32 to index
        %parallel_loop3A_508 = tpu.vector_load %arg6[%parallel_loop3A_507] {strides = array<i32>} : memref<4096xi32, #tpu.memory_space<vmem>>, vector<16xi32>,
        %parallel_loop3A_509 = arith.addi %parallel_loop3A_399, %parallel_loop3A_508 : vector<16xi32>
        %parallel_loop3A_510 = arith.index_cast %parallel_loop3A_506 : i32 to index
        %parallel_loop3A_511 = tpu.vector_load %arg6[%parallel_loop3A_510] {strides = array<i32>} : memref<4096xi32, #tpu.memory_space<vmem>>, vector<16xi32>,
        tpu.vector_store %arg6[%parallel_loop3A_510], %broadcast_in_dim3A_3 {strides = array<i32>} : memref<4096xi32, #tpu.memory_space<vmem>>, vector<16xi32>,
        %parallel_loop3A_512 = arith.constant 256 : i32
        %parallel_loop3A_513 = arith.muli %parallel_loop3A_387, %parallel_loop3A_512 : i32
        %parallel_loop3A_514 = arith.constant 192 : i32
        %parallel_loop3A_515 = arith.addi %parallel_loop3A_513, %parallel_loop3A_514 : i32
        %parallel_loop3A_516 = arith.index_cast %parallel_loop3A_515 : i32 to index
        %parallel_loop3A_517 = tpu.vector_load %arg6[%parallel_loop3A_516] {strides = array<i32>} : memref<4096xi32, #tpu.memory_space<vmem>>, vector<16xi32>,
        %parallel_loop3A_518 = arith.addi %parallel_loop3A_400, %parallel_loop3A_517 : vector<16xi32>
        %parallel_loop3A_519 = arith.index_cast %parallel_loop3A_515 : i32 to index
        %parallel_loop3A_520 = tpu.vector_load %arg6[%parallel_loop3A_519] {strides = array<i32>} : memref<4096xi32, #tpu.memory_space<vmem>>, vector<16xi32>,
        tpu.vector_store %arg6[%parallel_loop3A_519], %broadcast_in_dim3A_3 {strides = array<i32>} : memref<4096xi32, #tpu.memory_space<vmem>>, vector<16xi32>,
        %parallel_loop3A_521 = arith.constant 256 : i32
        %parallel_loop3A_522 = arith.muli %parallel_loop3A_387, %parallel_loop3A_521 : i32
        %parallel_loop3A_523 = arith.constant 208 : i32
        %parallel_loop3A_524 = arith.addi %parallel_loop3A_522, %parallel_loop3A_523 : i32
        %parallel_loop3A_525 = arith.index_cast %parallel_loop3A_524 : i32 to index
        %parallel_loop3A_526 = tpu.vector_load %arg6[%parallel_loop3A_525] {strides = array<i32>} : memref<4096xi32, #tpu.memory_space<vmem>>, vector<16xi32>,
        %parallel_loop3A_527 = arith.addi %parallel_loop3A_401, %parallel_loop3A_526 : vector<16xi32>
        %parallel_loop3A_528 = arith.index_cast %parallel_loop3A_524 : i32 to index
        %parallel_loop3A_529 = tpu.vector_load %arg6[%parallel_loop3A_528] {strides = array<i32>} : memref<4096xi32, #tpu.memory_space<vmem>>, vector<16xi32>,
        tpu.vector_store %arg6[%parallel_loop3A_528], %broadcast_in_dim3A_3 {strides = array<i32>} : memref<4096xi32, #tpu.memory_space<vmem>>, vector<16xi32>,
        %parallel_loop3A_530 = arith.constant 256 : i32
        %parallel_loop3A_531 = arith.muli %parallel_loop3A_387, %parallel_loop3A_530 : i32
        %parallel_loop3A_532 = arith.constant 224 : i32
        %parallel_loop3A_533 = arith.addi %parallel_loop3A_531, %parallel_loop3A_532 : i32
        %parallel_loop3A_534 = arith.index_cast %parallel_loop3A_533 : i32 to index
        %parallel_loop3A_535 = tpu.vector_load %arg6[%parallel_loop3A_534] {strides = array<i32>} : memref<4096xi32, #tpu.memory_space<vmem>>, vector<16xi32>,
        %parallel_loop3A_536 = arith.addi %parallel_loop3A_402, %parallel_loop3A_535 : vector<16xi32>
        %parallel_loop3A_537 = arith.index_cast %parallel_loop3A_533 : i32 to index
        %parallel_loop3A_538 = tpu.vector_load %arg6[%parallel_loop3A_537] {strides = array<i32>} : memref<4096xi32, #tpu.memory_space<vmem>>, vector<16xi32>,
        tpu.vector_store %arg6[%parallel_loop3A_537], %broadcast_in_dim3A_3 {strides = array<i32>} : memref<4096xi32, #tpu.memory_space<vmem>>, vector<16xi32>,
        %parallel_loop3A_539 = arith.constant 256 : i32
        %parallel_loop3A_540 = arith.muli %parallel_loop3A_387, %parallel_loop3A_539 : i32
        %parallel_loop3A_541 = arith.constant 240 : i32
        %parallel_loop3A_542 = arith.addi %parallel_loop3A_540, %parallel_loop3A_541 : i32
        %parallel_loop3A_543 = arith.index_cast %parallel_loop3A_542 : i32 to index
        %parallel_loop3A_544 = tpu.vector_load %arg6[%parallel_loop3A_543] {strides = array<i32>} : memref<4096xi32, #tpu.memory_space<vmem>>, vector<16xi32>,
        %parallel_loop3A_545 = arith.addi %parallel_loop3A_403, %parallel_loop3A_544 : vector<16xi32>
        %parallel_loop3A_546 = arith.index_cast %parallel_loop3A_542 : i32 to index
        %parallel_loop3A_547 = tpu.vector_load %arg6[%parallel_loop3A_546] {strides = array<i32>} : memref<4096xi32, #tpu.memory_space<vmem>>, vector<16xi32>,
        tpu.vector_store %arg6[%parallel_loop3A_546], %broadcast_in_dim3A_3 {strides = array<i32>} : memref<4096xi32, #tpu.memory_space<vmem>>, vector<16xi32>,
        scf.yield %parallel_loop3A_410, %parallel_loop3A_419, %parallel_loop3A_428, %parallel_loop3A_437, %parallel_loop3A_446, %parallel_loop3A_455, %parallel_loop3A_464, %parallel_loop3A_473, %parallel_loop3A_482, %parallel_loop3A_491, %parallel_loop3A_500, %parallel_loop3A_509, %parallel_loop3A_518, %parallel_loop3A_527, %parallel_loop3A_536, %parallel_loop3A_545 : vector<16xi32>, vector<16xi32>, vector<16xi32>, vector<16xi32>, vector<16xi32>, vector<16xi32>, vector<16xi32>, vector<16xi32>, vector<16xi32>, vector<16xi32>, vector<16xi32>, vector<16xi32>, vector<16xi32>, vector<16xi32>, vector<16xi32>, vector<16xi32>
      } {sc.loop_unroll_factor = 1 : i64, sc.parallel_access}
      %reduce_sum3A = arith.constant true
      %reduce_sum3A_61 = vector.broadcast %reduce_sum3A : i1 to vector<16xi1>
      %reduce_sum3A_62 = tpu.scan <sum>, %parallel_loop3A_60#0 masked %reduce_sum3A_61 : vector<16xi32>, vector<16xi1> -> vector<16xi32>
      %reduce_sum3A_63 = vector.extract %reduce_sum3A_62[15] : i32 from vector<16xi32>
      %reduce_sum3A_64 = arith.constant true
      %reduce_sum3A_65 = vector.broadcast %reduce_sum3A_64 : i1 to vector<16xi1>
      %reduce_sum3A_66 = tpu.scan <sum>, %parallel_loop3A_60#1 masked %reduce_sum3A_65 : vector<16xi32>, vector<16xi1> -> vector<16xi32>
      %reduce_sum3A_67 = vector.extract %reduce_sum3A_66[15] : i32 from vector<16xi32>
      %reduce_sum3A_68 = arith.constant true
      %reduce_sum3A_69 = vector.broadcast %reduce_sum3A_68 : i1 to vector<16xi1>
      %reduce_sum3A_70 = tpu.scan <sum>, %parallel_loop3A_60#2 masked %reduce_sum3A_69 : vector<16xi32>, vector<16xi1> -> vector<16xi32>
      %reduce_sum3A_71 = vector.extract %reduce_sum3A_70[15] : i32 from vector<16xi32>
      %reduce_sum3A_72 = arith.constant true
      %reduce_sum3A_73 = vector.broadcast %reduce_sum3A_72 : i1 to vector<16xi1>
      %reduce_sum3A_74 = tpu.scan <sum>, %parallel_loop3A_60#3 masked %reduce_sum3A_73 : vector<16xi32>, vector<16xi1> -> vector<16xi32>
      %reduce_sum3A_75 = vector.extract %reduce_sum3A_74[15] : i32 from vector<16xi32>
      %reduce_sum3A_76 = arith.constant true
      %reduce_sum3A_77 = vector.broadcast %reduce_sum3A_76 : i1 to vector<16xi1>
      %reduce_sum3A_78 = tpu.scan <sum>, %parallel_loop3A_60#4 masked %reduce_sum3A_77 : vector<16xi32>, vector<16xi1> -> vector<16xi32>
      %reduce_sum3A_79 = vector.extract %reduce_sum3A_78[15] : i32 from vector<16xi32>
      %reduce_sum3A_80 = arith.constant true
      %reduce_sum3A_81 = vector.broadcast %reduce_sum3A_80 : i1 to vector<16xi1>
      %reduce_sum3A_82 = tpu.scan <sum>, %parallel_loop3A_60#5 masked %reduce_sum3A_81 : vector<16xi32>, vector<16xi1> -> vector<16xi32>
      %reduce_sum3A_83 = vector.extract %reduce_sum3A_82[15] : i32 from vector<16xi32>
      %reduce_sum3A_84 = arith.constant true
      %reduce_sum3A_85 = vector.broadcast %reduce_sum3A_84 : i1 to vector<16xi1>
      %reduce_sum3A_86 = tpu.scan <sum>, %parallel_loop3A_60#6 masked %reduce_sum3A_85 : vector<16xi32>, vector<16xi1> -> vector<16xi32>
      %reduce_sum3A_87 = vector.extract %reduce_sum3A_86[15] : i32 from vector<16xi32>
      %reduce_sum3A_88 = arith.constant true
      %reduce_sum3A_89 = vector.broadcast %reduce_sum3A_88 : i1 to vector<16xi1>
      %reduce_sum3A_90 = tpu.scan <sum>, %parallel_loop3A_60#7 masked %reduce_sum3A_89 : vector<16xi32>, vector<16xi1> -> vector<16xi32>
      %reduce_sum3A_91 = vector.extract %reduce_sum3A_90[15] : i32 from vector<16xi32>
      %reduce_sum3A_92 = arith.constant true
      %reduce_sum3A_93 = vector.broadcast %reduce_sum3A_92 : i1 to vector<16xi1>
      %reduce_sum3A_94 = tpu.scan <sum>, %parallel_loop3A_60#8 masked %reduce_sum3A_93 : vector<16xi32>, vector<16xi1> -> vector<16xi32>
      %reduce_sum3A_95 = vector.extract %reduce_sum3A_94[15] : i32 from vector<16xi32>
      %reduce_sum3A_96 = arith.constant true
      %reduce_sum3A_97 = vector.broadcast %reduce_sum3A_96 : i1 to vector<16xi1>
      %reduce_sum3A_98 = tpu.scan <sum>, %parallel_loop3A_60#9 masked %reduce_sum3A_97 : vector<16xi32>, vector<16xi1> -> vector<16xi32>
      %reduce_sum3A_99 = vector.extract %reduce_sum3A_98[15] : i32 from vector<16xi32>
      %reduce_sum3A_100 = arith.constant true
      %reduce_sum3A_101 = vector.broadcast %reduce_sum3A_100 : i1 to vector<16xi1>
      %reduce_sum3A_102 = tpu.scan <sum>, %parallel_loop3A_60#10 masked %reduce_sum3A_101 : vector<16xi32>, vector<16xi1> -> vector<16xi32>
      %reduce_sum3A_103 = vector.extract %reduce_sum3A_102[15] : i32 from vector<16xi32>
      %reduce_sum3A_104 = arith.constant true
      %reduce_sum3A_105 = vector.broadcast %reduce_sum3A_104 : i1 to vector<16xi1>
      %reduce_sum3A_106 = tpu.scan <sum>, %parallel_loop3A_60#11 masked %reduce_sum3A_105 : vector<16xi32>, vector<16xi1> -> vector<16xi32>
      %reduce_sum3A_107 = vector.extract %reduce_sum3A_106[15] : i32 from vector<16xi32>
      %reduce_sum3A_108 = arith.constant true
      %reduce_sum3A_109 = vector.broadcast %reduce_sum3A_108 : i1 to vector<16xi1>
      %reduce_sum3A_110 = tpu.scan <sum>, %parallel_loop3A_60#12 masked %reduce_sum3A_109 : vector<16xi32>, vector<16xi1> -> vector<16xi32>
      %reduce_sum3A_111 = vector.extract %reduce_sum3A_110[15] : i32 from vector<16xi32>
      %reduce_sum3A_112 = arith.constant true
      %reduce_sum3A_113 = vector.broadcast %reduce_sum3A_112 : i1 to vector<16xi1>
      %reduce_sum3A_114 = tpu.scan <sum>, %parallel_loop3A_60#13 masked %reduce_sum3A_113 : vector<16xi32>, vector<16xi1> -> vector<16xi32>
      %reduce_sum3A_115 = vector.extract %reduce_sum3A_114[15] : i32 from vector<16xi32>
      %reduce_sum3A_116 = arith.constant true
      %reduce_sum3A_117 = vector.broadcast %reduce_sum3A_116 : i1 to vector<16xi1>
      %reduce_sum3A_118 = tpu.scan <sum>, %parallel_loop3A_60#14 masked %reduce_sum3A_117 : vector<16xi32>, vector<16xi1> -> vector<16xi32>
      %reduce_sum3A_119 = vector.extract %reduce_sum3A_118[15] : i32 from vector<16xi32>
      %reduce_sum3A_120 = arith.constant true
      %reduce_sum3A_121 = vector.broadcast %reduce_sum3A_120 : i1 to vector<16xi1>
      %reduce_sum3A_122 = tpu.scan <sum>, %parallel_loop3A_60#15 masked %reduce_sum3A_121 : vector<16xi32>, vector<16xi1> -> vector<16xi32>
      %reduce_sum3A_123 = vector.extract %reduce_sum3A_122[15] : i32 from vector<16xi32>
      %add3A_124 = arith.addi %reduce_sum3A_63, %reduce_sum3A_67 : i32
      %add3A_125 = arith.addi %add3A_124, %reduce_sum3A_71 : i32
      %add3A_126 = arith.addi %add3A_125, %reduce_sum3A_75 : i32
      %add3A_127 = arith.addi %add3A_126, %reduce_sum3A_79 : i32
      %add3A_128 = arith.addi %add3A_127, %reduce_sum3A_83 : i32
      %add3A_129 = arith.addi %add3A_128, %reduce_sum3A_87 : i32
      %add3A_130 = arith.addi %add3A_129, %reduce_sum3A_91 : i32
      %add3A_131 = arith.addi %add3A_130, %reduce_sum3A_95 : i32
      %add3A_132 = arith.addi %add3A_131, %reduce_sum3A_99 : i32
      %add3A_133 = arith.addi %add3A_132, %reduce_sum3A_103 : i32
      %add3A_134 = arith.addi %add3A_133, %reduce_sum3A_107 : i32
      %add3A_135 = arith.addi %add3A_134, %reduce_sum3A_111 : i32
      %add3A_136 = arith.addi %add3A_135, %reduce_sum3A_115 : i32
      %add3A_137 = arith.addi %add3A_136, %reduce_sum3A_119 : i32
      %add3A_138 = arith.addi %add3A_137, %reduce_sum3A_123 : i32
      %ge3A = arith.constant 4095 : i32
      %ge3A_139 = arith.cmpi sge, %ge3A, %reduce_sum3A_63 : i32
      %convert_element_type3A_140 = arith.extui %ge3A_139 : i1 to i32
      %add3A_141 = arith.constant 0 : i32
      %add3A_142 = arith.addi %add3A_141, %convert_element_type3A_140 : i32
      %ge3A_143 = arith.constant 4095 : i32
      %ge3A_144 = arith.cmpi sge, %ge3A_143, %add3A_124 : i32
      %convert_element_type3A_145 = arith.extui %ge3A_144 : i1 to i32
      %add3A_146 = arith.addi %add3A_142, %convert_element_type3A_145 : i32
      %ge3A_147 = arith.constant 4095 : i32
      %ge3A_148 = arith.cmpi sge, %ge3A_147, %add3A_125 : i32
      %convert_element_type3A_149 = arith.extui %ge3A_148 : i1 to i32
      %add3A_150 = arith.addi %add3A_146, %convert_element_type3A_149 : i32
      %ge3A_151 = arith.constant 4095 : i32
      %ge3A_152 = arith.cmpi sge, %ge3A_151, %add3A_126 : i32
      %convert_element_type3A_153 = arith.extui %ge3A_152 : i1 to i32
      %add3A_154 = arith.addi %add3A_150, %convert_element_type3A_153 : i32
      %ge3A_155 = arith.constant 4095 : i32
      %ge3A_156 = arith.cmpi sge, %ge3A_155, %add3A_127 : i32
      %convert_element_type3A_157 = arith.extui %ge3A_156 : i1 to i32
      %add3A_158 = arith.addi %add3A_154, %convert_element_type3A_157 : i32
      %ge3A_159 = arith.constant 4095 : i32
      %ge3A_160 = arith.cmpi sge, %ge3A_159, %add3A_128 : i32
      %convert_element_type3A_161 = arith.extui %ge3A_160 : i1 to i32
      %add3A_162 = arith.addi %add3A_158, %convert_element_type3A_161 : i32
      %ge3A_163 = arith.constant 4095 : i32
      %ge3A_164 = arith.cmpi sge, %ge3A_163, %add3A_129 : i32
      %convert_element_type3A_165 = arith.extui %ge3A_164 : i1 to i32
      %add3A_166 = arith.addi %add3A_162, %convert_element_type3A_165 : i32
      %ge3A_167 = arith.constant 4095 : i32
      %ge3A_168 = arith.cmpi sge, %ge3A_167, %add3A_130 : i32
      %convert_element_type3A_169 = arith.extui %ge3A_168 : i1 to i32
      %add3A_170 = arith.addi %add3A_166, %convert_element_type3A_169 : i32
      %ge3A_171 = arith.constant 4095 : i32
      %ge3A_172 = arith.cmpi sge, %ge3A_171, %add3A_131 : i32
      %convert_element_type3A_173 = arith.extui %ge3A_172 : i1 to i32
      %add3A_174 = arith.addi %add3A_170, %convert_element_type3A_173 : i32
      %ge3A_175 = arith.constant 4095 : i32
      %ge3A_176 = arith.cmpi sge, %ge3A_175, %add3A_132 : i32
      %convert_element_type3A_177 = arith.extui %ge3A_176 : i1 to i32
      %add3A_178 = arith.addi %add3A_174, %convert_element_type3A_177 : i32
      %ge3A_179 = arith.constant 4095 : i32
      %ge3A_180 = arith.cmpi sge, %ge3A_179, %add3A_133 : i32
      %convert_element_type3A_181 = arith.extui %ge3A_180 : i1 to i32
      %add3A_182 = arith.addi %add3A_178, %convert_element_type3A_181 : i32
      %ge3A_183 = arith.constant 4095 : i32
      %ge3A_184 = arith.cmpi sge, %ge3A_183, %add3A_134 : i32
      %convert_element_type3A_185 = arith.extui %ge3A_184 : i1 to i32
      %add3A_186 = arith.addi %add3A_182, %convert_element_type3A_185 : i32
      %ge3A_187 = arith.constant 4095 : i32
      %ge3A_188 = arith.cmpi sge, %ge3A_187, %add3A_135 : i32
      %convert_element_type3A_189 = arith.extui %ge3A_188 : i1 to i32
      %add3A_190 = arith.addi %add3A_186, %convert_element_type3A_189 : i32
      %ge3A_191 = arith.constant 4095 : i32
      %ge3A_192 = arith.cmpi sge, %ge3A_191, %add3A_136 : i32
      %convert_element_type3A_193 = arith.extui %ge3A_192 : i1 to i32
      %add3A_194 = arith.addi %add3A_190, %convert_element_type3A_193 : i32
      %ge3A_195 = arith.constant 4095 : i32
      %ge3A_196 = arith.cmpi sge, %ge3A_195, %add3A_137 : i32
      %convert_element_type3A_197 = arith.extui %ge3A_196 : i1 to i32
      %add3A_198 = arith.addi %add3A_194, %convert_element_type3A_197 : i32
      %ge3A_199 = arith.constant 4095 : i32
      %ge3A_200 = arith.cmpi sge, %ge3A_199, %reduce_sum3A_63 : i32
      %jit3A_201 = arith.constant 0 : i32
      %select_n3A_202 = arith.select %ge3A_200, %reduce_sum3A_63, %jit3A_201 : i32
      %ge3A_203 = arith.constant 4095 : i32
      %ge3A_204 = arith.cmpi sge, %ge3A_203, %add3A_124 : i32
      %select_n3A_205 = arith.select %ge3A_204, %add3A_124, %select_n3A_202 : i32
      %ge3A_206 = arith.constant 4095 : i32
      %ge3A_207 = arith.cmpi sge, %ge3A_206, %add3A_125 : i32
      %select_n3A_208 = arith.select %ge3A_207, %add3A_125, %select_n3A_205 : i32
      %ge3A_209 = arith.constant 4095 : i32
      %ge3A_210 = arith.cmpi sge, %ge3A_209, %add3A_126 : i32
      %select_n3A_211 = arith.select %ge3A_210, %add3A_126, %select_n3A_208 : i32
      %ge3A_212 = arith.constant 4095 : i32
      %ge3A_213 = arith.cmpi sge, %ge3A_212, %add3A_127 : i32
      %select_n3A_214 = arith.select %ge3A_213, %add3A_127, %select_n3A_211 : i32
      %ge3A_215 = arith.constant 4095 : i32
      %ge3A_216 = arith.cmpi sge, %ge3A_215, %add3A_128 : i32
      %select_n3A_217 = arith.select %ge3A_216, %add3A_128, %select_n3A_214 : i32
      %ge3A_218 = arith.constant 4095 : i32
      %ge3A_219 = arith.cmpi sge, %ge3A_218, %add3A_129 : i32
      %select_n3A_220 = arith.select %ge3A_219, %add3A_129, %select_n3A_217 : i32
      %ge3A_221 = arith.constant 4095 : i32
      %ge3A_222 = arith.cmpi sge, %ge3A_221, %add3A_130 : i32
      %select_n3A_223 = arith.select %ge3A_222, %add3A_130, %select_n3A_220 : i32
      %ge3A_224 = arith.constant 4095 : i32
      %ge3A_225 = arith.cmpi sge, %ge3A_224, %add3A_131 : i32
      %select_n3A_226 = arith.select %ge3A_225, %add3A_131, %select_n3A_223 : i32
      %ge3A_227 = arith.constant 4095 : i32
      %ge3A_228 = arith.cmpi sge, %ge3A_227, %add3A_132 : i32
      %select_n3A_229 = arith.select %ge3A_228, %add3A_132, %select_n3A_226 : i32
      %ge3A_230 = arith.constant 4095 : i32
      %ge3A_231 = arith.cmpi sge, %ge3A_230, %add3A_133 : i32
      %select_n3A_232 = arith.select %ge3A_231, %add3A_133, %select_n3A_229 : i32
      %ge3A_233 = arith.constant 4095 : i32
      %ge3A_234 = arith.cmpi sge, %ge3A_233, %add3A_134 : i32
      %select_n3A_235 = arith.select %ge3A_234, %add3A_134, %select_n3A_232 : i32
      %ge3A_236 = arith.constant 4095 : i32
      %ge3A_237 = arith.cmpi sge, %ge3A_236, %add3A_135 : i32
      %select_n3A_238 = arith.select %ge3A_237, %add3A_135, %select_n3A_235 : i32
      %ge3A_239 = arith.constant 4095 : i32
      %ge3A_240 = arith.cmpi sge, %ge3A_239, %add3A_136 : i32
      %select_n3A_241 = arith.select %ge3A_240, %add3A_136, %select_n3A_238 : i32
      %ge3A_242 = arith.constant 4095 : i32
      %ge3A_243 = arith.cmpi sge, %ge3A_242, %add3A_137 : i32
      %select_n3A_244 = arith.select %ge3A_243, %add3A_137, %select_n3A_241 : i32
      %broadcast_in_dim3A_245 = vector.broadcast %add3A_198 : i32 to vector<16xi32>
      %eq3A_246 = arith.constant 14 : i32
      %eq3A_247 = vector.broadcast %eq3A_246 : i32 to vector<16xi32>
      %eq3A_248 = arith.cmpi eq, %broadcast_in_dim3A_245, %eq3A_247 : vector<16xi32>
      %select_n3A_249 = arith.select %eq3A_248, %parallel_loop3A_60#14, %parallel_loop3A_60#15 : vector<16xi1>, vector<16xi32>
      %eq3A_250 = arith.constant 13 : i32
      %eq3A_251 = vector.broadcast %eq3A_250 : i32 to vector<16xi32>
      %eq3A_252 = arith.cmpi eq, %broadcast_in_dim3A_245, %eq3A_251 : vector<16xi32>
      %select_n3A_253 = arith.select %eq3A_252, %parallel_loop3A_60#13, %select_n3A_249 : vector<16xi1>, vector<16xi32>
      %eq3A_254 = arith.constant 12 : i32
      %eq3A_255 = vector.broadcast %eq3A_254 : i32 to vector<16xi32>
      %eq3A_256 = arith.cmpi eq, %broadcast_in_dim3A_245, %eq3A_255 : vector<16xi32>
      %select_n3A_257 = arith.select %eq3A_256, %parallel_loop3A_60#12, %select_n3A_253 : vector<16xi1>, vector<16xi32>
      %eq3A_258 = arith.constant 11 : i32
      %eq3A_259 = vector.broadcast %eq3A_258 : i32 to vector<16xi32>
      %eq3A_260 = arith.cmpi eq, %broadcast_in_dim3A_245, %eq3A_259 : vector<16xi32>
      %select_n3A_261 = arith.select %eq3A_260, %parallel_loop3A_60#11, %select_n3A_257 : vector<16xi1>, vector<16xi32>
      %eq3A_262 = arith.constant 10 : i32
      %eq3A_263 = vector.broadcast %eq3A_262 : i32 to vector<16xi32>
      %eq3A_264 = arith.cmpi eq, %broadcast_in_dim3A_245, %eq3A_263 : vector<16xi32>
      %select_n3A_265 = arith.select %eq3A_264, %parallel_loop3A_60#10, %select_n3A_261 : vector<16xi1>, vector<16xi32>
      %eq3A_266 = arith.constant 9 : i32
      %eq3A_267 = vector.broadcast %eq3A_266 : i32 to vector<16xi32>
      %eq3A_268 = arith.cmpi eq, %broadcast_in_dim3A_245, %eq3A_267 : vector<16xi32>
      %select_n3A_269 = arith.select %eq3A_268, %parallel_loop3A_60#9, %select_n3A_265 : vector<16xi1>, vector<16xi32>
      %eq3A_270 = arith.constant 8 : i32
      %eq3A_271 = vector.broadcast %eq3A_270 : i32 to vector<16xi32>
      %eq3A_272 = arith.cmpi eq, %broadcast_in_dim3A_245, %eq3A_271 : vector<16xi32>
      %select_n3A_273 = arith.select %eq3A_272, %parallel_loop3A_60#8, %select_n3A_269 : vector<16xi1>, vector<16xi32>
      %eq3A_274 = arith.constant 7 : i32
      %eq3A_275 = vector.broadcast %eq3A_274 : i32 to vector<16xi32>
      %eq3A_276 = arith.cmpi eq, %broadcast_in_dim3A_245, %eq3A_275 : vector<16xi32>
      %select_n3A_277 = arith.select %eq3A_276, %parallel_loop3A_60#7, %select_n3A_273 : vector<16xi1>, vector<16xi32>
      %eq3A_278 = arith.constant 6 : i32
      %eq3A_279 = vector.broadcast %eq3A_278 : i32 to vector<16xi32>
      %eq3A_280 = arith.cmpi eq, %broadcast_in_dim3A_245, %eq3A_279 : vector<16xi32>
      %select_n3A_281 = arith.select %eq3A_280, %parallel_loop3A_60#6, %select_n3A_277 : vector<16xi1>, vector<16xi32>
      %eq3A_282 = arith.constant 5 : i32
      %eq3A_283 = vector.broadcast %eq3A_282 : i32 to vector<16xi32>
      %eq3A_284 = arith.cmpi eq, %broadcast_in_dim3A_245, %eq3A_283 : vector<16xi32>
      %select_n3A_285 = arith.select %eq3A_284, %parallel_loop3A_60#5, %select_n3A_281 : vector<16xi1>, vector<16xi32>
      %eq3A_286 = arith.constant 4 : i32
      %eq3A_287 = vector.broadcast %eq3A_286 : i32 to vector<16xi32>
      %eq3A_288 = arith.cmpi eq, %broadcast_in_dim3A_245, %eq3A_287 : vector<16xi32>
      %select_n3A_289 = arith.select %eq3A_288, %parallel_loop3A_60#4, %select_n3A_285 : vector<16xi1>, vector<16xi32>
      %eq3A_290 = arith.constant 3 : i32
      %eq3A_291 = vector.broadcast %eq3A_290 : i32 to vector<16xi32>
      %eq3A_292 = arith.cmpi eq, %broadcast_in_dim3A_245, %eq3A_291 : vector<16xi32>
      %select_n3A_293 = arith.select %eq3A_292, %parallel_loop3A_60#3, %select_n3A_289 : vector<16xi1>, vector<16xi32>
      %eq3A_294 = arith.constant 2 : i32
      %eq3A_295 = vector.broadcast %eq3A_294 : i32 to vector<16xi32>
      %eq3A_296 = arith.cmpi eq, %broadcast_in_dim3A_245, %eq3A_295 : vector<16xi32>
      %select_n3A_297 = arith.select %eq3A_296, %parallel_loop3A_60#2, %select_n3A_293 : vector<16xi1>, vector<16xi32>
      %eq3A_298 = arith.constant 1 : i32
      %eq3A_299 = vector.broadcast %eq3A_298 : i32 to vector<16xi32>
      %eq3A_300 = arith.cmpi eq, %broadcast_in_dim3A_245, %eq3A_299 : vector<16xi32>
      %select_n3A_301 = arith.select %eq3A_300, %parallel_loop3A_60#1, %select_n3A_297 : vector<16xi1>, vector<16xi32>
      %eq3A_302 = arith.constant 0 : i32
      %eq3A_303 = vector.broadcast %eq3A_302 : i32 to vector<16xi32>
      %eq3A_304 = arith.cmpi eq, %broadcast_in_dim3A_245, %eq3A_303 : vector<16xi32>
      %select_n3A_305 = arith.select %eq3A_304, %parallel_loop3A_60#0, %select_n3A_301 : vector<16xi1>, vector<16xi32>
      %broadcast_in_dim3A_306 = arith.constant true
      %broadcast_in_dim3A_307 = vector.broadcast %broadcast_in_dim3A_306 : i1 to vector<16xi1>
      %masked_cumsum3A = tpu.scan <sum>, %select_n3A_305 masked %broadcast_in_dim3A_307 : vector<16xi32>, vector<16xi1> -> vector<16xi32>
      %add3A_308 = vector.broadcast %select_n3A_244 : i32 to vector<16xi32>
      %add3A_309 = arith.addi %masked_cumsum3A, %add3A_308 : vector<16xi32>
      %le3A = arith.constant 4095 : i32
      %le3A_310 = vector.broadcast %le3A : i32 to vector<16xi32>
      %le3A_311 = arith.cmpi sle, %add3A_309, %le3A_310 : vector<16xi32>
      %all_reduce_population_count3A = tpu.all_reduce %le3A_311 {dim = 0 : i64, kind = #tpu.reduction_kind<sum>} : vector<16xi1> -> vector<16xi32>
      %mul3A_312 = arith.constant 16 : i32
      %mul3A_313 = arith.muli %add3A_198, %mul3A_312 : i32
      %add3A_314 = vector.broadcast %mul3A_313 : i32 to vector<16xi32>
      %add3A_315 = arith.addi %all_reduce_population_count3A, %add3A_314 : vector<16xi32>
      %broadcast_in_dim3A_316 = vector.broadcast %select_n3A_244 : i32 to vector<16xi32>
      %select_n3A_317 = arith.select %le3A_311, %add3A_309, %broadcast_in_dim3A_316 : vector<16xi1>, vector<16xi32>
      %reduce_max3A = arith.constant true
      %reduce_max3A_318 = vector.broadcast %reduce_max3A : i1 to vector<16xi1>
      %reduce_max3A_319 = arith.constant -2147483648 : i32
      %reduce_max3A_320 = vector.broadcast %reduce_max3A_319 : i32 to vector<16xi32>
      %reduce_max3A_321 = arith.xori %select_n3A_317, %reduce_max3A_320 : vector<16xi32>
      %reduce_max3A_322 = tpu.scan <max>, %reduce_max3A_321 masked %reduce_max3A_318 : vector<16xi32>, vector<16xi1> -> vector<16xi32>
      %reduce_max3A_323 = arith.xori %reduce_max3A_322, %reduce_max3A_320 : vector<16xi32>
      %reduce_max3A_324 = vector.extract %reduce_max3A_323[15] : i32 from vector<16xi32>
      %jit3A_325 = arith.constant 1073741824 : i32
      %broadcast_in_dim3A_326 = vector.broadcast %jit3A_325 : i32 to vector<16xi32>
      %select_n3A_327 = arith.select %le3A_311, %broadcast_in_dim3A_326, %add3A_309 : vector<16xi1>, vector<16xi32>
      %reduce_min3A = arith.constant true
      %reduce_min3A_328 = vector.broadcast %reduce_min3A : i1 to vector<16xi1>
      %reduce_min3A_329 = arith.constant -2147483648 : i32
      %reduce_min3A_330 = vector.broadcast %reduce_min3A_329 : i32 to vector<16xi32>
      %reduce_min3A_331 = arith.xori %select_n3A_327, %reduce_min3A_330 : vector<16xi32>
      %reduce_min3A_332 = tpu.scan <min>, %reduce_min3A_331 masked %reduce_min3A_328 : vector<16xi32>, vector<16xi1> -> vector<16xi32>
      %reduce_min3A_333 = arith.xori %reduce_min3A_332, %reduce_min3A_330 : vector<16xi32>
      %reduce_min3A_334 = vector.extract %reduce_min3A_333[15] : i32 from vector<16xi32>
      %sub3A = arith.subi %reduce_min3A_334, %reduce_max3A_324 : i32
      %sub3A_335 = arith.constant 4095 : i32
      %sub3A_336 = arith.subi %sub3A_335, %reduce_max3A_324 : i32
      %reduce_max3A_337 = arith.constant true
      %reduce_max3A_338 = vector.broadcast %reduce_max3A_337 : i1 to vector<16xi1>
      %reduce_max3A_339 = arith.constant -2147483648 : i32
      %reduce_max3A_340 = vector.broadcast %reduce_max3A_339 : i32 to vector<16xi32>
      %reduce_max3A_341 = arith.xori %add3A_315, %reduce_max3A_340 : vector<16xi32>
      %reduce_max3A_342 = tpu.scan <max>, %reduce_max3A_341 masked %reduce_max3A_338 : vector<16xi32>, vector<16xi1> -> vector<16xi32>
      %reduce_max3A_343 = arith.xori %reduce_max3A_342, %reduce_max3A_340 : vector<16xi32>
      %reduce_max3A_344 = vector.extract %reduce_max3A_343[15] : i32 from vector<16xi32>
      %shift_left3A = arith.constant 24 : i32
      %shift_left3A_345 = arith.shli %reduce_max3A_344, %shift_left3A : i32
      %ge3A_346 = arith.constant 128 : i32
      %ge3A_347 = arith.cmpi sge, %reduce_max3A_344, %ge3A_346 : i32
      %sub3A_348 = arith.constant 128 : i32
      %sub3A_349 = arith.subi %reduce_max3A_344, %sub3A_348 : i32
      %shift_left3A_350 = arith.constant 24 : i32
      %shift_left3A_351 = arith.shli %sub3A_349, %shift_left3A_350 : i32
      %add3A_352 = arith.constant 1 : i32
      %add3A_353 = arith.addi %reduce_max3A_344, %add3A_352 : i32
      %shift_left3A_354 = arith.constant 24 : i32
      %shift_left3A_355 = arith.shli %add3A_353, %shift_left3A_354 : i32
      %neg3A = arith.constant 0 : i32
      %neg3A_356 = arith.subi %neg3A, %shift_left3A_355 : i32
      %select_n3A_357 = arith.select %ge3A_347, %shift_left3A_351, %neg3A_356 : i32
      %sub3A_358 = arith.constant 127 : i32
      %sub3A_359 = arith.subi %reduce_max3A_344, %sub3A_358 : i32
      %shift_left3A_360 = arith.constant 24 : i32
      %shift_left3A_361 = arith.shli %sub3A_359, %shift_left3A_360 : i32
      %shift_left3A_362 = arith.constant 24 : i32
      %shift_left3A_363 = arith.shli %reduce_max3A_344, %shift_left3A_362 : i32
      %neg3A_364 = arith.constant 0 : i32
      %neg3A_365 = arith.subi %neg3A_364, %shift_left3A_363 : i32
      %select_n3A_366 = arith.select %ge3A_347, %shift_left3A_361, %neg3A_365 : i32
      %broadcast_in_dim3A_367 = vector.broadcast %select_n3A_357 : i32 to vector<16xi32>
      %broadcast_in_dim3A_368 = vector.broadcast %select_n3A_366 : i32 to vector<16xi32>
      %parallel_loop3A_369 = arith.constant 0 : i32
      %parallel_loop3A_370 = arith.constant 512 : i32
      %parallel_loop3A_371 = arith.constant 1 : i32
      %parallel_loop3A_372 = scf.for %parallel_loop3A_387 = %parallel_loop3A_369 to %parallel_loop3A_370 step %parallel_loop3A_371 iter_args(%parallel_loop3A_388 = %broadcast_in_dim3A_3) -> (vector<16xi32>)  : i32 {
        %parallel_loop3A_389 = arith.constant 16 : i32
        %parallel_loop3A_390 = arith.muli %parallel_loop3A_387, %parallel_loop3A_389 : i32
        %parallel_loop3A_391 = arith.addi %mul3A_53, %parallel_loop3A_390 : i32
        %parallel_loop3A_392 = arith.index_cast %parallel_loop3A_391 : i32 to index
        %parallel_loop3A_393 = tpu.vector_load %arg4[%parallel_loop3A_392] {strides = array<i32>} : memref<16384xf32, #tpu.memory_space<vmem>>, vector<16xf32>,
        %parallel_loop3A_394 = vector.bitcast %parallel_loop3A_393 : vector<16xf32> to vector<16xi32>
        %parallel_loop3A_395 = arith.cmpi sge, %parallel_loop3A_394, %broadcast_in_dim3A_367 : vector<16xi32>
        %parallel_loop3A_396 = arith.cmpi slt, %parallel_loop3A_394, %broadcast_in_dim3A_368 : vector<16xi32>
        %parallel_loop3A_397 = arith.andi %parallel_loop3A_395, %parallel_loop3A_396 : vector<16xi1>
        %parallel_loop3A_398 = arith.extui %parallel_loop3A_397 : vector<16xi1> to vector<16xi32>
        %parallel_loop3A_399 = arith.constant true
        %parallel_loop3A_400 = vector.broadcast %parallel_loop3A_399 : i1 to vector<16xi1>
        %parallel_loop3A_401 = tpu.scan <sum>, %parallel_loop3A_398 masked %parallel_loop3A_400 : vector<16xi32>, vector<16xi1> -> vector<16xi32>
        %parallel_loop3A_402 = arith.addi %parallel_loop3A_388, %parallel_loop3A_401 : vector<16xi32>
        %parallel_loop3A_403 = arith.constant 1 : i32
        %parallel_loop3A_404 = vector.broadcast %parallel_loop3A_403 : i32 to vector<16xi32>
        %parallel_loop3A_405 = arith.subi %parallel_loop3A_402, %parallel_loop3A_404 : vector<16xi32>
        tpu.vector_store_idx %arg5[%parallel_loop3A_405], %parallel_loop3A_394 masked %parallel_loop3A_397 : memref<24576xi32, #tpu.memory_space<vmem>>[vector<16xi32>], vector<16xi32>, vector<16xi1>
        %parallel_loop3A_406 = tpu.all_reduce %parallel_loop3A_397 {dim = 0 : i64, kind = #tpu.reduction_kind<sum>} : vector<16xi1> -> vector<16xi32>
        %parallel_loop3A_407 = arith.addi %parallel_loop3A_388, %parallel_loop3A_406 : vector<16xi32>
        scf.yield %parallel_loop3A_407 : vector<16xi32>
      } {sc.loop_unroll_factor = 4 : i64, sc.parallel_access}
      %while3A = arith.constant 0 : i32
      %while3A_373 = arith.constant 8192 : i32
      %while3A_374 = arith.constant 16384 : i32
      %while3A_375 = arith.constant 23 : i32
      %while3A_376:7 = scf.while (%while3A_387 = %shift_left3A_345, %while3A_388 = %sub3A_336, %while3A_389 = %sub3A, %while3A_390 = %while3A, %while3A_391 = %while3A_373, %while3A_392 = %while3A_374, %while3A_393 = %while3A_375) : (i32, i32, i32, i32, i32, i32, i32) -> (i32, i32, i32, i32, i32, i32, i32) {
        %gt3A = arith.constant 16 : i32
        %gt3A_394 = arith.cmpi sgt, %while3A_389, %gt3A : i32
        %ge3A_395 = arith.constant 0 : i32
        %ge3A_396 = arith.cmpi sge, %while3A_393, %ge3A_395 : i32
        %and3A_397 = arith.andi %gt3A_394, %ge3A_396 : i1
        scf.condition(%and3A_397) %while3A_387, %while3A_388, %while3A_389, %while3A_390, %while3A_391, %while3A_392, %while3A_393 : i32, i32, i32, i32, i32, i32, i32
      } do {
      ^bb0(%while3A_387: i32, %while3A_388: i32, %while3A_389: i32, %while3A_390: i32, %while3A_391: i32, %while3A_392: i32, %while3A_393: i32):
        %shift_left3A_394 = arith.constant 1 : i32
        %shift_left3A_395 = arith.shli %shift_left3A_394, %while3A_393 : i32
        %or3A = arith.ori %while3A_387, %shift_left3A_395 : i32
        %xor3A = arith.xori %or3A, %scan3A_20 : i32
        %add3A_396 = arith.constant 16 : i32
        %add3A_397 = arith.addi %while3A_389, %add3A_396 : i32
        %sub3A_398 = arith.constant 1 : i32
        %sub3A_399 = arith.subi %add3A_397, %sub3A_398 : i32
        %jit3A_400 = arith.constant 16 : i32
        %div3A = arith.divsi %sub3A_399, %jit3A_400 : i32
        %sign3A = arith.constant 0 : i32
        %sign3A_401 = arith.cmpi sgt, %sub3A_399, %sign3A : i32
        %sign3A_402 = arith.extui %sign3A_401 : i1 to i32
        %sign3A_403 = arith.constant 0 : i32
        %sign3A_404 = arith.cmpi slt, %sub3A_399, %sign3A_403 : i32
        %sign3A_405 = arith.extui %sign3A_404 : i1 to i32
        %sign3A_406 = arith.subi %sign3A_402, %sign3A_405 : i32
        %sign3A_407 = arith.constant 0 : i32
        %sign3A_408 = arith.cmpi sgt, %jit3A_400, %sign3A_407 : i32
        %sign3A_409 = arith.extui %sign3A_408 : i1 to i32
        %sign3A_410 = arith.constant 0 : i32
        %sign3A_411 = arith.cmpi slt, %jit3A_400, %sign3A_410 : i32
        %sign3A_412 = arith.extui %sign3A_411 : i1 to i32
        %sign3A_413 = arith.subi %sign3A_409, %sign3A_412 : i32
        %ne3A_414 = arith.cmpi ne, %sign3A_406, %sign3A_413 : i32
        %rem3A_415 = arith.remsi %sub3A_399, %jit3A_400 : i32
        %ne3A_416 = arith.constant 0 : i32
        %ne3A_417 = arith.cmpi ne, %rem3A_415, %ne3A_416 : i32
        %and3A_418 = arith.andi %ne3A_414, %ne3A_417 : i1
        %sub3A_419 = arith.constant 1 : i32
        %sub3A_420 = arith.subi %div3A, %sub3A_419 : i32
        %select_n3A_421 = arith.select %and3A_418, %sub3A_420, %div3A : i32
        %broadcast_in_dim3A_422 = vector.broadcast %while3A_391 : i32 to vector<16xi32>
        %broadcast_in_dim3A_423 = vector.broadcast %while3A_392 : i32 to vector<16xi32>
        %parallel_loop3A_424 = arith.constant 0 : i32
        %parallel_loop3A_425 = arith.constant 1 : i32
        %parallel_loop3A_426:3 = scf.for %parallel_loop3A_441 = %parallel_loop3A_424 to %select_n3A_421 step %parallel_loop3A_425 iter_args(%parallel_loop3A_442 = %broadcast_in_dim3A_3, %parallel_loop3A_443 = %broadcast_in_dim3A_422, %parallel_loop3A_444 = %broadcast_in_dim3A_423) -> (vector<16xi32>, vector<16xi32>, vector<16xi32>)  : i32 {
          %parallel_loop3A_445 = arith.constant 16 : i32
          %parallel_loop3A_446 = arith.muli %parallel_loop3A_441, %parallel_loop3A_445 : i32
          %parallel_loop3A_447 = arith.addi %while3A_390, %parallel_loop3A_446 : i32
          %parallel_loop3A_448 = arith.index_cast %parallel_loop3A_447 : i32 to index
          %parallel_loop3A_449 = tpu.vector_load %arg5[%parallel_loop3A_448] {strides = array<i32>} : memref<24576xi32, #tpu.memory_space<vmem>>, vector<16xi32>,
          %parallel_loop3A_450 = arith.constant 31 : i32
          %parallel_loop3A_451 = vector.broadcast %parallel_loop3A_450 : i32 to vector<16xi32>
          %parallel_loop3A_452 = arith.shrsi %parallel_loop3A_449, %parallel_loop3A_451 : vector<16xi32>
          %parallel_loop3A_453 = arith.constant 2147483647 : i32
          %parallel_loop3A_454 = vector.broadcast %parallel_loop3A_453 : i32 to vector<16xi32>
          %parallel_loop3A_455 = arith.andi %parallel_loop3A_452, %parallel_loop3A_454 : vector<16xi32>
          %parallel_loop3A_456 = arith.xori %parallel_loop3A_449, %parallel_loop3A_455 : vector<16xi32>
          %parallel_loop3A_457 = arith.constant 16 : i32
          %parallel_loop3A_458 = arith.muli %parallel_loop3A_441, %parallel_loop3A_457 : i32
          %parallel_loop3A_459 = vector.broadcast %parallel_loop3A_458 : i32 to vector<16xi32>
          %parallel_loop3A_460 = arith.addi %parallel_loop3A_459, %iota3A : vector<16xi32>
          %parallel_loop3A_461 = vector.broadcast %while3A_389 : i32 to vector<16xi32>
          %parallel_loop3A_462 = arith.cmpi slt, %parallel_loop3A_460, %parallel_loop3A_461 : vector<16xi32>
          %parallel_loop3A_463 = vector.broadcast %xor3A : i32 to vector<16xi32>
          %parallel_loop3A_464 = arith.cmpi slt, %parallel_loop3A_456, %parallel_loop3A_463 : vector<16xi32>
          %parallel_loop3A_465 = arith.andi %parallel_loop3A_464, %parallel_loop3A_462 : vector<16xi1>
          %parallel_loop3A_466 = arith.constant dense<true> : vector<16xi1>
          %parallel_loop3A_467 = arith.xori %parallel_loop3A_465, %parallel_loop3A_466 : vector<16xi1>
          %parallel_loop3A_468 = arith.andi %parallel_loop3A_462, %parallel_loop3A_467 : vector<16xi1>
          %parallel_loop3A_469 = arith.extui %parallel_loop3A_465 : vector<16xi1> to vector<16xi32>
          %parallel_loop3A_470 = arith.constant true
          %parallel_loop3A_471 = vector.broadcast %parallel_loop3A_470 : i1 to vector<16xi1>
          %parallel_loop3A_472 = tpu.scan <sum>, %parallel_loop3A_469 masked %parallel_loop3A_471 : vector<16xi32>, vector<16xi1> -> vector<16xi32>
          %parallel_loop3A_473 = arith.addi %parallel_loop3A_443, %parallel_loop3A_472 : vector<16xi32>
          %parallel_loop3A_474 = arith.constant 1 : i32
          %parallel_loop3A_475 = vector.broadcast %parallel_loop3A_474 : i32 to vector<16xi32>
          %parallel_loop3A_476 = arith.subi %parallel_loop3A_473, %parallel_loop3A_475 : vector<16xi32>
          %parallel_loop3A_477 = arith.extui %parallel_loop3A_468 : vector<16xi1> to vector<16xi32>
          %parallel_loop3A_478 = arith.constant true
          %parallel_loop3A_479 = vector.broadcast %parallel_loop3A_478 : i1 to vector<16xi1>
          %parallel_loop3A_480 = tpu.scan <sum>, %parallel_loop3A_477 masked %parallel_loop3A_479 : vector<16xi32>, vector<16xi1> -> vector<16xi32>
          %parallel_loop3A_481 = arith.addi %parallel_loop3A_444, %parallel_loop3A_480 : vector<16xi32>
          %parallel_loop3A_482 = arith.constant 1 : i32
          %parallel_loop3A_483 = vector.broadcast %parallel_loop3A_482 : i32 to vector<16xi32>
          %parallel_loop3A_484 = arith.subi %parallel_loop3A_481, %parallel_loop3A_483 : vector<16xi32>
          tpu.vector_store_idx %arg5[%parallel_loop3A_476], %parallel_loop3A_449 masked %parallel_loop3A_465 : memref<24576xi32, #tpu.memory_space<vmem>>[vector<16xi32>], vector<16xi32>, vector<16xi1>
          tpu.vector_store_idx %arg5[%parallel_loop3A_484], %parallel_loop3A_449 masked %parallel_loop3A_468 : memref<24576xi32, #tpu.memory_space<vmem>>[vector<16xi32>], vector<16xi32>, vector<16xi1>
          %parallel_loop3A_485 = arith.addi %parallel_loop3A_442, %parallel_loop3A_469 : vector<16xi32>
          %parallel_loop3A_486 = tpu.all_reduce %parallel_loop3A_465 {dim = 0 : i64, kind = #tpu.reduction_kind<sum>} : vector<16xi1> -> vector<16xi32>
          %parallel_loop3A_487 = arith.addi %parallel_loop3A_443, %parallel_loop3A_486 : vector<16xi32>
          %parallel_loop3A_488 = tpu.all_reduce %parallel_loop3A_468 {dim = 0 : i64, kind = #tpu.reduction_kind<sum>} : vector<16xi1> -> vector<16xi32>
          %parallel_loop3A_489 = arith.addi %parallel_loop3A_444, %parallel_loop3A_488 : vector<16xi32>
          scf.yield %parallel_loop3A_485, %parallel_loop3A_487, %parallel_loop3A_489 : vector<16xi32>, vector<16xi32>, vector<16xi32>
        } {sc.loop_unroll_factor = 2 : i64, sc.parallel_access}
        %reduce_sum3A_427 = arith.constant true
        %reduce_sum3A_428 = vector.broadcast %reduce_sum3A_427 : i1 to vector<16xi1>
        %reduce_sum3A_429 = tpu.scan <sum>, %parallel_loop3A_426#0 masked %reduce_sum3A_428 : vector<16xi32>, vector<16xi1> -> vector<16xi32>
        %reduce_sum3A_430 = vector.extract %reduce_sum3A_429[15] : i32 from vector<16xi32>
        %lt3A_431 = arith.cmpi slt, %while3A_388, %reduce_sum3A_430 : i32
        %select_n3A_432 = arith.select %lt3A_431, %while3A_387, %or3A : i32
        %sub3A_433 = arith.subi %while3A_388, %reduce_sum3A_430 : i32
        %select_n3A_434 = arith.select %lt3A_431, %while3A_388, %sub3A_433 : i32
        %sub3A_435 = arith.subi %while3A_389, %reduce_sum3A_430 : i32
        %select_n3A_436 = arith.select %lt3A_431, %reduce_sum3A_430, %sub3A_435 : i32
        %select_n3A_437 = arith.select %lt3A_431, %while3A_391, %while3A_392 : i32
        %select_n3A_438 = arith.select %lt3A_431, %while3A_392, %while3A_391 : i32
        %sub3A_439 = arith.constant 1 : i32
        %sub3A_440 = arith.subi %while3A_393, %sub3A_439 : i32
        scf.yield %select_n3A_432, %select_n3A_434, %select_n3A_436, %select_n3A_437, %while3A_390, %select_n3A_438, %sub3A_440 : i32, i32, i32, i32, i32, i32, i32
      }
      %le3A_377 = arith.constant 16 : i32
      %le3A_378 = arith.cmpi sle, %while3A_376#2, %le3A_377 : i32
      %convert_element_type3A_379 = arith.extui %le3A_378 : i1 to i32
      %cond3A_380 = arith.constant 0 : i32
      %cond3A_381 = arith.cmpi ne, %convert_element_type3A_379, %cond3A_380 : i32
      %cond3A_382 = scf.if %cond3A_381 -> (vector<16xf32>) {
        %get3A = arith.index_cast %while3A_376#3 : i32 to index
        %get3A_387 = tpu.vector_load %arg5[%get3A] {strides = array<i32>} : memref<24576xi32, #tpu.memory_space<vmem>>, vector<16xi32>,
        %shift_right_arithmetic3A = arith.constant 31 : i32
        %shift_right_arithmetic3A_388 = vector.broadcast %shift_right_arithmetic3A : i32 to vector<16xi32>
        %shift_right_arithmetic3A_389 = arith.shrsi %get3A_387, %shift_right_arithmetic3A_388 : vector<16xi32>
        %and3A_390 = arith.constant 2147483647 : i32
        %and3A_391 = vector.broadcast %and3A_390 : i32 to vector<16xi32>
        %and3A_392 = arith.andi %shift_right_arithmetic3A_389, %and3A_391 : vector<16xi32>
        %xor3A = arith.xori %get3A_387, %and3A_392 : vector<16xi32>
        %lt3A_393 = vector.broadcast %while3A_376#2 : i32 to vector<16xi32>
        %lt3A_394 = arith.cmpi slt, %iota3A, %lt3A_393 : vector<16xi32>
        %jit3A_395 = arith.constant 2147483647 : i32
        %broadcast_in_dim3A_396 = vector.broadcast %jit3A_395 : i32 to vector<16xi32>
        %select_n3A_397 = arith.select %lt3A_394, %xor3A, %broadcast_in_dim3A_396 : vector<16xi1>, vector<16xi32>
        %sort3A = arith.constant dense<true> : vector<16xi1>
        %sort3A_398, %sort3A_399, %sort3A_400 = tpu.sort %select_n3A_397, %select_n3A_397 masked %sort3A : (vector<16xi32>, vector<16xi32>, vector<16xi1>) -> (vector<16xi1>, vector<16xi32>, vector<16xi32>)
        %broadcast_in_dim3A_401 = vector.broadcast %while3A_376#1 : i32 to vector<16xi32>
        %reshape3A = vector.shape_cast %broadcast_in_dim3A_401 : vector<16xi32> to vector<16x1xi32>
        %gather3A = vector.shape_cast %reshape3A : vector<16x1xi32> to vector<16xi32>
        %gather3A_402 = tpu.dynamic_gather %sort3A_399[%gather3A] in [0] : vector<16xi32>, vector<16xi32> -> vector<16xi32>
        %shift_right_arithmetic3A_403 = arith.constant 31 : i32
        %shift_right_arithmetic3A_404 = vector.broadcast %shift_right_arithmetic3A_403 : i32 to vector<16xi32>
        %shift_right_arithmetic3A_405 = arith.shrsi %gather3A_402, %shift_right_arithmetic3A_404 : vector<16xi32>
        %and3A_406 = arith.constant 2147483647 : i32
        %and3A_407 = vector.broadcast %and3A_406 : i32 to vector<16xi32>
        %and3A_408 = arith.andi %shift_right_arithmetic3A_405, %and3A_407 : vector<16xi32>
        %xor3A_409 = arith.xori %gather3A_402, %and3A_408 : vector<16xi32>
        %bitcast3A = vector.bitcast %xor3A_409 : vector<16xi32> to vector<16xf32>
        scf.yield %bitcast3A : vector<16xf32>
      } else {
        %lt3A_387 = arith.constant 0 : i32
        %lt3A_388 = arith.cmpi slt, %while3A_376#0, %lt3A_387 : i32
        %xor3A = arith.xori %while3A_376#0, %scan3A_20 : i32
        %not3A = arith.constant -1 : i32
        %not3A_389 = arith.xori %while3A_376#0, %not3A : i32
        %select_n3A_390 = arith.select %lt3A_388, %xor3A, %not3A_389 : i32
        %bitcast_convert_type3A = arith.bitcast %select_n3A_390 : i32 to f32
        %broadcast_in_dim3A_391 = vector.broadcast %bitcast_convert_type3A : f32 to vector<16xf32>
        scf.yield %broadcast_in_dim3A_391 : vector<16xf32>
      }
      %broadcast_in_dim3A_383 = vector.broadcast %scan3A_28 : i32 to vector<16xi32>
      %eq3A_384 = arith.constant 0 : i32
      %eq3A_385 = vector.broadcast %eq3A_384 : i32 to vector<16xi32>
      %eq3A_386 = arith.cmpi eq, %iota3A, %eq3A_385 : vector<16xi32>
      tpu.vector_store_idx %arg7[%broadcast_in_dim3A_383], %cond3A_382 masked %eq3A_386 : memref<64xf32, #tpu.memory_space<vmem>>[vector<16xi32>], vector<16xf32>, vector<16xi1>
    }
    %scan3A_25 = arith.constant 64 : i32
    %mul3A_26 = arith.constant 64 : i32
    %mul3A_27 = arith.muli %add3A, %mul3A_26 : i32
    "tpu.region"() ({
      %run_scoped3A = tpu.sem_alloc : memref<!tpu.dma_semaphore, #tpu.memory_space<semaphore_mem>>
      %dma_start3A_28 = tpu.memref_slice %arg3[%mul3A_27] : memref<2048xf32, #tpu.memory_space<hbm>> -> memref<64xf32, #tpu.memory_space<hbm>>
      %dma_start3A_29 = tpu.memref_slice %arg3[%mul3A_27] : memref<2048xf32, #tpu.memory_space<hbm>> -> memref<64xf32, #tpu.memory_space<hbm>>
      tpu.enqueue_dma source(%arg7 : memref<64xf32, #tpu.memory_space<vmem>>) target(%dma_start3A_29 : memref<64xf32, #tpu.memory_space<hbm>>) target_semaphore(%run_scoped3A : memref<!tpu.dma_semaphore, #tpu.memory_space<semaphore_mem>>)
      %dma_wait3A = tpu.memref_slice %arg3[%mul3A_27] : memref<2048xf32, #tpu.memory_space<hbm>> -> memref<64xf32, #tpu.memory_space<hbm>>
      %dma_wait3A_30 = tpu.memref_slice %arg3[%mul3A_27] : memref<2048xf32, #tpu.memory_space<hbm>> -> memref<64xf32, #tpu.memory_space<hbm>>
      tpu.wait_dma2 semaphore(%run_scoped3A : memref<!tpu.dma_semaphore, #tpu.memory_space<semaphore_mem>>) src(%arg7 : memref<64xf32, #tpu.memory_space<vmem>>) dst(%dma_wait3A_30 : memref<64xf32, #tpu.memory_space<hbm>>)
      tpu.yield
    }) : () -> ()
    return
  }
}

</mosaic_0001>

<sc_bundles>
// kernel: kernel.3.cloned.1.call-start
scs
__scs_entry_jumppad:
0x0: {  	(pc) =	sbr.rel $0x88, $3  }
0x1: {  	(tag) =	ssettag $0x0;
	lr =	simm.s32 $0x1  }
0x2: {  	[smem:$0x3FA0] =	sst lr;
	_ =	strace $0xD0000000  }
0x3: {  	_ = 	snop  }
0x4: {  	_ = 	snop  }
0x5: {  	_ = 	snop  }
0x6: {  	_ = 	snop  }
0x7: {  	_ = 	snop  }
__scs_overlays_trampoline_lowered:
0x8: {  	[smem:$0x3FAF] =	sst s0  }
0x9: {  	[smem:$0x3FB0] =	sst s1  }
0xa: {  	[smem:$0x3FB1] =	sst s2  }
0xb: {  	[smem:$0x3FB2] =	sst s3  }
0xc: {  	[smem:$0x3FB3] =	sst s4  }
0xd: {  	[smem:$0x3FB4] =	sst s5  }
0xe: {  	[smem:$0x3FB5] =	sst s6  }
0xf: {  	[smem:$0x3FB6] =	sst s7  }
0x10: {  	[smem:$0x3FB7] =	sst s8  }
0x11: {  	[smem:$0x3FB8] =	sst s9;
	s0 =	simm.s32 @!p0 $0x0  }
0x12: {  	s1 =	sld [smem:$0x3F9E];
	s0 =	simm.s32 @p0 $0x1  }
0x13: {  	[smem:$0x3FB9] =	sst s0;
	s0 =	simm.s32 @!p1 $0x0  }
0x14: {  	s2 =	sld [smem:$0x3F9D];
	s0 =	simm.s32 @p1 $0x1  }
0x15: {  	[smem:$0x3FBA] =	sst s0;
	s0 =	simm.s32 @!p2 $0x0  }
0x16: {  	s3 =	sld [smem:$0x3FDB];
	s0 =	simm.s32 @p2 $0x1  }
0x17: {  	s4 =	simm.s32 $0x1BF5;
	[smem:$0x3FBC] =	sst s0  }
0x18: {  	s0 =	sld [smem:$0x3F9F];
	_ =	swait.ge [sflag:s4], $0x0  }
0x19: {  	s7 =	sld [smem:$0x3FA0]  }
0x1a: {  	s8 =	sadd.s32 $0xFFFFE003, lr  }
0x1b: {  	s9 =	sadd.s32 $0xFFFFFEF7, lr;
	s5 =	simm.s32 $0xFFFFFFFF;
	p2 =	slt.u32 s8, $0xFFFFF086  }
0x1c: {  	p1 =	slt.u32 s9, $0xF7A;
	s5 =	simm.s32 @!p2 $0x0  }
0x1d: {  	s5 =	simm.s32 @p1 $0x1;
	p0 =	seq.s32 s7, s2  }
0x1e: {  	s7 =	smul.u32 @!p0 $0xF7A, s2;
	p2 =	seq.s32 @!p0 s5, $0x0  }
0x1f: {  	s9 =	smul.u32 $0xF7A, s1;
	s8 =	simm.s32 @!p0 $0x1BF5;
	p2 =	por !p2, p0  }
0x20: {  	[sflag:s8] =	ssyncset.s32 @!p0 $0xFFFFF086;
	s6 =	sadd.s32 @!p0 s3, s7;
	s7 =	simm.s32 @!p0 $0x108  }
0x21: {  	s3 =	sadd.s32 s3, s9;
	s6 =	sadd.s32 @!p0 $0x88, s6;
	s7 =	simm.s32 @p2 $0x1082  }
0x22: {  	[simem:s7], [sflag:s8] =	dma.local @!p0 [hbm:s6], $0xF7A  }
0x23: {  	s9 =	sor.u32 $0xD0000000, s2;
	s6 =	simm.s32 $0x108;
	_ =	swait.ge @!p0 [sflag:s8], $0x0  }
0x24: {  	s3 =	sadd.s32 $0x88, s3;
	s6 =	simm.s32 @!p1 $0x1082;
	[sflag:s4] =	ssyncset.s32 $0xFFFFF086  }
0x25: {  	[simem:s6], [sflag:s4] =	dma.local [hbm:s3], $0xF7A  }
0x26: {  	[smem:$0x3FA0] =	sst s1;
	(tag) =	ssettag s2;
	_ =	strace s9  }
0x27: {  	s1 =	sld [smem:$0x3FB0]  }
0x28: {  	s2 =	sld [smem:$0x3FB1]  }
0x29: {  	s4 =	sld [smem:$0x3FB3]  }
0x2a: {  	p0 =	seq.s32 s5, $0x0;
	s5 =	sld [smem:$0x3FB4]  }
0x2b: {  	s6 =	sld [smem:$0x3FB5]  }
0x2c: {  	s7 =	sld [smem:$0x3FB6]  }
0x2d: {  	s3 =	simm.s32 $0x108;
	s8 =	sld [smem:$0x3FB7]  }
0x2e: {  	s3 =	simm.s32 @!p0 $0x1082;
	s9 =	sld [smem:$0x3FB8]  }
0x2f: {  	lr =	sadd.s32 s0, s3;
	s0 =	sld [smem:$0x3FAF]  }
0x30: {  	s3 =	sld [smem:$0x3FB2]  }
0x31: {  	[smem:$0x3FBB] =	sst s10  }
0x32: {  	s10 =	sld [smem:$0x3FB9];
	_ =	sdelay $0x3  }
0x33: {  	p0 =	seq.s32 s10, $0x1;
	s10 =	sld [smem:$0x3FBB];
	_ =	sdelay $0x3  }
0x34: {  	[smem:$0x3FBB] =	sst s10  }
0x35: {  	s10 =	sld [smem:$0x3FBA];
	_ =	sdelay $0x3  }
0x36: {  	p1 =	seq.s32 s10, $0x1;
	s10 =	sld [smem:$0x3FBB];
	_ =	sdelay $0x3  }
0x37: {  	[smem:$0x3FBB] =	sst s10  }
0x38: {  	s10 =	sld [smem:$0x3FBC]  }
0x39: {  	_ = 	snop;
	(pc) =	sbr.ind lr, $3  }
0x3a: {  	_ = 	snop  }
0x3b: {  	_ = 	snop  }
0x3c: {  	p2 =	seq.s32 s10, $0x1;
	s10 =	sld [smem:$0x3FBB]  }
0x3d: {  	_ =	shalt  }
0x3e: {  	_ =	shalt  }
0x3f: {  	_ =	shalt  }
0x40: {  	_ =	shalt  }
0x41: {  	_ =	shalt  }
0x42: {  	_ =	shalt  }
0x43: {  	_ =	shalt  }
0x44: {  	_ =	shalt  }
0x45: {  	_ =	shalt  }
0x46: {  	_ =	shalt  }
0x47: {  	_ =	shalt  }
0x48: {  	_ =	shalt  }
0x49: {  	_ =	shalt  }
0x4a: {  	_ =	shalt  }
0x4b: {  	_ =	shalt  }
0x4c: {  	_ =	shalt  }
0x4d: {  	_ =	shalt  }
0x4e: {  	_ =	shalt  }
0x4f: {  	_ =	shalt  }
0x50: {  	_ =	shalt  }
0x51: {  	_ =	shalt  }
0x52: {  	_ =	shalt  }
0x53: {  	_ =	shalt  }
0x54: {  	_ =	shalt  }
0x55: {  	_ =	shalt  }
0x56: {  	_ =	shalt  }
0x57: {  	_ =	shalt  }
0x58: {  	_ =	shalt  }
0x59: {  	_ =	shalt  }
0x5a: {  	_ =	shalt  }
0x5b: {  	_ =	shalt  }
0x5c: {  	_ =	shalt  }
0x5d: {  	_ =	shalt  }
0x5e: {  	_ =	shalt  }
0x5f: {  	_ =	shalt  }
0x60: {  	_ =	shalt  }
0x61: {  	_ =	shalt  }
0x62: {  	_ =	shalt  }
0x63: {  	_ =	shalt  }
0x64: {  	_ =	shalt  }
0x65: {  	_ =	shalt  }
0x66: {  	_ =	shalt  }
0x67: {  	_ =	shalt  }
0x68: {  	_ =	shalt  }
0x69: {  	_ =	shalt  }
0x6a: {  	_ =	shalt  }
0x6b: {  	_ =	shalt  }
0x6c: {  	_ =	shalt  }
0x6d: {  	_ =	shalt  }
0x6e: {  	_ =	shalt  }
0x6f: {  	_ =	shalt  }
0x70: {  	_ =	shalt  }
0x71: {  	_ =	shalt  }
0x72: {  	_ =	shalt  }
0x73: {  	_ =	shalt  }
0x74: {  	_ =	shalt  }
0x75: {  	_ =	shalt  }
0x76: {  	_ =	shalt  }
0x77: {  	_ =	shalt  }
0x78: {  	_ =	shalt  }
0x79: {  	_ =	shalt  }
0x7a: {  	_ =	shalt  }
0x7b: {  	_ =	shalt  }
0x7c: {  	_ =	shalt  }
0x7d: {  	_ =	shalt  }
0x7e: {  	_ =	shalt  }
0x7f: {  	_ =	shalt  }
0x80: {  	_ =	shalt  }
0x81: {  	_ =	shalt  }
0x82: {  	_ =	shalt  }
0x83: {  	_ =	shalt  }
0x84: {  	_ =	shalt  }
0x85: {  	_ =	shalt  }
0x86: {  	_ =	shalt  }
0x87: {  	_ =	shalt  }
.Lfunc_end0:
.L_simem_size_0:
called_computation_lowered:
.L_overlay_start_0:
0x88: {  	s2 =	sld [smem:$0x3FD9]  }
0x89: {  	s3 =	sld [smem:$0x3FFE];
	_ =	sdelay $0x1  }
0x8a: {  	s1 =	srdreg.scid  }
0x8b: {  	s0 =	sand.u32 $0x1, s1  }
0x8c: {  	s18 =	sshll.u32 s0, $0xA;
	s2 =	sadd.s32 s3, s2  }
0x8d: {  	s2 =	sadd.s32 s2, s18  }
0x8e: {  	[smem:$0x3FC7] =	sst s2  }
0x8f: {  	_ = 	snop  }
0x90: {  	s2 =	sld [smem:$0x3FC9]  }
0x91: {  	s19 =	sld [smem:$0x3FD0];
	(tm) =	ssettm $0x1  }
0x92: {  	s4 =	sld [smem:$0x3FFB];
	_ =	sdelay $0x3  }
0x93: {  	_ =	strace s4  }
0x94: {  	s4 =	sld [smem:$0x3FFC];
	_ =	sdelay $0x3  }
0x95: {  	_ =	strace s4  }
0x96: {  	s4 =	sld [smem:$0x3FFD];
	_ =	sdelay $0x3  }
0x97: {  	_ =	strace s4  }
0x98: {  	_ =	strace $0x8FFFFFFF  }
0x99: {  	s20 =	sld [smem:$0x3FDB];
	_ =	sdelay $0x1  }
0x9a: {  	s5 =	simm.s32 $_scs_section_size  }
0x9b: {  	s6 =	simm.s32 $_size__tile_overlayer_lowered;
	s7 =	simm.s32 $_tile_overlayer_lowered  }
0x9c: {  	s23 =	simm.s32 $0x1BFF;
	s22 =	sshll.u32 s7, $0x1;
	s4 =	sadd.s32 s5, s20  }
0x9d: {  	s8 =	simm.s32 $0x0;
	s21 =	sshll.u32 s6, $0x1;
	s6 =	sadd.s32 s22, s4  }
0x9e: {  	[timem:s8], [sflag:s23] =	dma.local [hbm:s6], s21  }
0x9f: {  	_ =	swait.ge [sflag:s23], s21  }
0xa0: {  	s5 =	ssub.s32 $0x0, s21;
	[sflag:s23] =	ssyncset.done $0x0  }
0xa1: {  	[sflag:s23] =	ssyncadd.s32 s5;
	_ =	sdelay $0x1  }
0xa2: {  	s24 =	simm.s32 $0x1B8B  }
0xa3: {  	_ =	swait.ge [sflag:s24], $0x1  }
0xa4: {  	[sflag:s24] =	ssyncset.done $0x0  }
0xa5: {  	s25 =	simm.s32 $0x1B8E;
	[sflag:s24] =	ssyncadd.s32 $0xFFFFFFFF  }
0xa6: {  	s26 =	simm.s32 $execute0_lowered;
	[smem:$0x3FD2] =	sst s25  }
0xa7: {  	s5 =	sshll.u32 s26, $0x1;
	_ =	strace $0x80000046;
	[dreg:$0x1] =	wrdreg $0xFFFFFFFF  }
0xa8: {  	s28 =	simm.s32 $_size_execute0_lowered;
	s4 =	sadd.s32 s4, s5;
	[dreg:$0x0] =	wrdreg $0x0  }
0xa9: {  	s5 =	sshll.u32 s28, $0x1;
	[dreg:$0x2] =	wrdreg s4  }
0xaa: {  	[dreg:$0x3] =	wrdreg s5  }
0xab: {  	[dreg:$0x4] =	wrdreg $0xC0  }
0xac: {  	_ =	task [dreg:s8], $0x5FFFF  }
0xad: {  	[dreg:$0x1] =	wrdreg $0xFFFFFFFF  }
0xae: {  	[dreg:$0x0] =	wrdreg $0x60  }
0xaf: {  	[dreg:$0x2] =	wrdreg s2  }
0xb0: {  	[dreg:$0x3] =	wrdreg s19  }
0xb1: {  	[dreg:$0x4] =	wrdreg $0x9  }
0xb2: {  	_ =	task.clear_ibuf [dreg:s8], $0x5FFFF;
	_ =	strace $0x90000046  }
0xb3: {  	s29 =	simm.s32 $0x9;
	_ =	strace $0x80000048  }
0xb4: {  	_ =	swait.ge [sflag:s29], $0x1  }
0xb5: {  	[sflag:s29] =	ssyncadd.s32 $0xFFFFFFFF  }
0xb6: {  	_ =	strace $0x90000048  }
0xb7: {  	_ =	sfence  }
0xb8: {  	s30 =	sld [smem:$0x0];
	_ =	sdelay $0x2  }
0xb9: {  	s31 =	sshll.u32 s1, $0xD;
	s1 =	sshrl.u32 s1, $0x2  }
0xba: {  	s3 =	sand.u32 $0x4000, s31;
	s1 =	sadd.s32 s1, s30  }
0xbb: {  	s0 =	sor.u32 s3, s0;
	s1 =	sshll.u32 s1, $0x11  }
0xbc: {  	s0 =	sor.u32 s1, s0  }
0xbd: {  	s0 =	sadd.s32 $0x8F2B, s0  }
0xbe: {  	[sflag:s0] =	ssyncadd.remote.s32 $0x1  }
0xbf: {  	_ =	sfence.sel $0xFFFF  }
0xc0: {  	[dreg:$0x0] =	wrdreg $0xFFFFFFFF;
	(pc) =	sbr.abs _section_cstart, $3  }
0xc1: {  	[dreg:$0x1] =	wrdreg $0xFFFFFFFF  }
0xc2: {  	_ =	task.clear_ibuf [dreg:s8], $0x2FFFF;
	_ =	strace $0x9FFFFFFF  }
0xc3: {  	(tm) =	ssettm $0x7FFFFFFF  }
tec
execute0_lowered:
.L_overlay_start_1:
0x0: {  	(tag) =	ssettag $0x1  }
0x1: {  	s1 =	rddreg [dreg:$0x0]  }
0x2: {  	s0 =	rddreg [dreg:$0x1]  }
0x3: {  	s2 =	srdreg.scid;
	s3 =	simm.s32 $0x0;
	s4 =	stileid.u32  }
0x4: {  	s10 =	simm.s32 $0x1;
	s11 =	simm.s32 $0xA000;
	s2 =	sand.u32 $0x1, s2  }
0x5: {  	[smem:$0x7FF] =	sst s3;
	s4 =	sshll.u32 s4, $0x6;
	s28 =	sshll.u32 s2, $0xA  }
0x6: {  	s12 =	simm.s32 $0x4000;
	_ =	strace $0x80000047;
	s4 =	sor.u32 s4, s28  }
.Ltmp0:
0x7: {  	s2 =	ssub.s32 $0x2, s2;
	s5 =	sshll.u32 s4, $0xA;
	(pc) =	sbr.rel .LBB2_1-.Ltmp0, $4  }
0x8: {  	v0 =	vlaneseq.u32;
	s29 =	sshrl.u32 s2, $0x1;
	s6 =	sshrl.u32 s4, $0x3;
	s30 =	sadd.s32 s1, s5  }
0x9: {  	v2 =	vmul.u32 $0x2, v0;
	s2 =	ssub.s32 s2, s29;
	s0 =	sadd.s32 s0, s6;
	[dreg:$0x3] =	wrdreg s30  }
0xa: {  	s13 =	simm.s32 $0xB000;
	s31 =	smax.u32 s2, $0x1;
	[dreg:$0x4] =	wrdreg s0  }
0xb: {  	v1 =	vimm.s32 $0x0;
	v3 =	vimm.s32 $0x1;
	s16 =	simm.s32 $0x0;
	s3 =	simm.s32 $0x0;
	v2 =	vor.u32 $0x1, v2;
	[dreg:$0x5] =	wrdreg s31  }
.LBB2_31:
0xc: {  	s0 =	simm.s32 $0x0;
	s2 =	rddreg [dreg:$0x4];
	s30 =	simm.s32 $0x2  }
0xd: {  	[hbm4b:s2+s0] =	stream.linear.scatter [tilespmem:s13], [sflag:$0x2], $0x40, $0x38;
	[tilespmem:$0xB080] =	vst v63  }
0xe: {  	_ =	swait.ge [sflag:s30], $0x40  }
0xf: {  	s3 =	rddreg [dreg:$0x6]  }
0x10: {  	s31 =	rddreg [dreg:$0x5];
	s3 =	sadd.s32 $0x1, s3  }
0x11: {  	p0 =	sne.s32 s3, s31  }
.Ltmp1:
0x12: {  	_ = 	snop;
	(pc) =	sbr.rel @!p0 .LBB2_32-.Ltmp1, $3  }
0x13: {  	_ =	sdelay $0x1  }
0x14: {  	[sflag:s30] =	ssyncset.done $0x0  }
0x15: {  	[sflag:s30] =	ssyncadd.s32 $0xFFFFFFC0  }
.LBB2_1:
0x16: {  	[dreg:$0x6] =	wrdreg s3;
	s0 =	simm.s32 $0xA020  }
0x17: {  	[tilespmem:s0+$0xFFFFFFE0] =	vst v1  }
0x18: {  	[tilespmem:s0+$0x10] =	vst v1  }
0x19: {  	s2 =	simm.s32 $0x0;
	[tilespmem:s0+$0x0] =	vst v1  }
.LBB2_2:
0x1a: {  	s2 =	sadd.s32 $0x4, s2  }
0x1b: {  	[tilespmem:s0+$0xFFFFFFF0] =	vst v1;
	s0 =	sadd.s32 $0x40, s0;
	p0 =	slt.u32 s2, $0xFC  }
.Ltmp2:
0x1c: {  	[tilespmem:s0+$0xFFFFFFE0] =	vst v1;
	(pc) =	sbr.rel @p0 .LBB2_2-.Ltmp2, $3  }
0x1d: {  	_ =	sdelay $0x1  }
0x1e: {  	[tilespmem:s0+$0x10] =	vst v1  }
0x1f: {  	[tilespmem:s0+$0x0] =	vst v1  }
.Ltmp3:
0x20: {  	(pc) =	sbr.rel .LBB2_4-.Ltmp3, $4  }
0x21: {  	_ = 	snop  }
0x22: {  	[tilespmem:s0+$0xFFFFFFF0] =	vst v1;
	s2 =	simm.s32 $0x80;
	s3 =	simm.s32 $0x400  }
0x23: {  	s17 =	simm.s32 $0x0;
	s18 =	simm.s32 $0x0;
	s0 =	rddreg [dreg:$0x3]  }
0x24: {  	[tilespmem:s16], [sflag:$0x1] =	stream.strided.gather [hbm4b:s0+s2], $0x2000, s3, s2, $0x38;
	[tilespmem:$0xB080] =	vst v63  }
.LBB2_29:
0x25: {  	p0 =	sgt.s32 s28, $0xFFFFFFFF;
	s0 =	simm.s32 $0xFFFFFFFF  }
0x26: {  	s0 =	simm.s32 @!p0 $0x80000000  }
0x27: {  	s0 =	sxor.u32 s28, s0  }
0x28: {  	v4 =	vmov s0  }
0x29: {  	v4 =	vbroadcast v4, $0x0  }
.LBB2_30:
0x2a: {  	v5 =	vmov s19;
	p0 =	sne.s32 s18, $0x40  }
.Ltmp4:
0x2b: {  	_ = 	snop;
	(pc) =	sbr.rel @!p0 .LBB2_31-.Ltmp4, $2  }
0x2c: {  	_ =	sdelay $0x2  }
0x2d: {  	s17 =	sadd.s32 $0x2000, s17;
	[tilespmem:v5+s13+$0x0] =	vst.idx.msk $0x1, v4  }
.LBB2_4:
0x2e: {  	s19 =	smov.u32 s18  }
0x2f: {  	s18 =	sadd.s32 $0x1, s18;
	p0 =	seq.s32 s19, $0x3F  }
0x30: {  	s0 =	sadd.s32 @!p0 s4, s18;
	s2 =	sshll.u32 @!p0 s18, $0x4  }
0x31: {  	s3 =	sshll.u32 @!p0 s18, $0xD;
	s0 =	sshll.u32 @!p0 s0, $0xA;
	s2 =	sand.u32 @!p0 $0x70, s2  }
0x32: {  	s8 =	simm.s32 @!p0 $0x400;
	s0 =	sand.u32 @!p0 $0x3FE000, s0;
	s2 =	sadd.s32 @!p0 s1, s2  }
0x33: {  	s3 =	sand.u32 @!p0 $0x2000, s3;
	s0 =	sadd.s32 @!p0 s0, s2;
	s2 =	simm.s32 @!p0 $0x80  }
0x34: {  	[tilespmem:s3], [sflag:$0x1] =	stream.strided.gather @!p0 [hbm4b:s0+s2], $0x2000, s8, s2, $0x38;
	[tilespmem:$0xB080] =	vst v63  }
0x35: {  	s28 =	sadd.s32 $0x0, s17;
	_ =	swait.ge [sflag:s10], $0x2000  }
0x36: {  	s29 =	sand.u32 $0x40, s16;
	s0 =	sand.u32 $0x3F80, s28;
	[sflag:s10] =	ssyncset.done $0x0  }
0x37: {  	s0 =	sor.u32 s29, s0;
	[sflag:s10] =	ssyncadd.s32 $0xFFFFE000  }
0x38: {  	v4 =	vld [tilespmem:s0+$0x30]  }
0x39: {  	v5 =	vld [tilespmem:s0+$0x0]  }
0x3a: {  	v6 =	vld [tilespmem:s0+$0x10]  }
0x3b: {  	v7 =	vld [tilespmem:s0+$0x20];
	_ =	sdelay $0x3  }
0x3c: {  	v8 =	vshra.s32 v4, $0x1F  }
0x3d: {  	v9 =	vshra.s32 v5, $0x1F;
	v10 =	vshra.s32 v6, $0x1F;
	v11 =	vshra.s32 v7, $0x1F  }
0x3e: {  	v13 =	vshrl.u32 v7, $0x1F;
	v8 =	vxor.u32 v4, v8;
	v4 =	vshrl.u32 v4, $0x1F  }
0x3f: {  	s30 =	simm.s32 $0x40;
	s31 =	sadd.s32 $0x40, s17;
	v9 =	vxor.u32 v5, v9;
	v10 =	vxor.u32 v6, v10;
	v13 =	vxor.u32 v2, v13  }
0x40: {  	s2 =	sand.u32 $0x3F80, s31;
	s0 =	sand.u32 $0x40, s30;
	v8 =	vshrl.u32 v8, $0x18;
	v4 =	vxor.u32 v2, v4;
	v9 =	vshrl.u32 v9, $0x18  }
0x41: {  	s2 =	sor.u32 s0, s2;
	v10 =	vshrl.u32 v10, $0x18;
	v8 =	vand.u32 $0x7F, v8;
	v4 =	vshll.u32 v4, $0x7  }
0x42: {  	v9 =	vand.u32 $0x7F, v9;
	v12 =	vor.u32 v4, v8;
	v8 =	vxor.u32 v7, v11;
	v11 =	vld [tilespmem:s2+$0x30]  }
0x43: {  	v10 =	vand.u32 $0x7F, v10;
	v4 =	vshrl.u32 v5, $0x1F;
	v5 =	vshrl.u32 v6, $0x1F;
	v6 =	vld [tilespmem:s2+$0x0]  }
0x44: {  	v7 =	vld [tilespmem:s2+$0x10];
	v4 =	vxor.u32 v2, v4;
	v5 =	vxor.u32 v2, v5;
	v8 =	vshrl.u32 v8, $0x18  }
0x45: {  	v4 =	vshll.u32 v4, $0x7;
	v5 =	vshll.u32 v5, $0x7;
	v14 =	vand.u32 $0x7F, v8  }
0x46: {  	v9 =	vor.u32 v4, v9;
	v4 =	vshll.u32 v13, $0x7;
	v8 =	vor.u32 v5, v10;
	v10 =	vld [tilespmem:s2+$0x20]  }
0x47: {  	v4 =	vor.u32 v4, v14;
	v5 =	vshra.s32 v11, $0x1F  }
0x48: {  	[tilespmem:v12+s11+$0x0] =	vst.idx.add.s32.msk $0xffff, v3;
	v12 =	vshra.s32 v6, $0x1F;
	v14 =	vshrl.u32 v11, $0x1F;
	v5 =	vxor.u32 v11, v5  }
0x49: {  	s0 =	simm.s32 $0x4;
	s2 =	simm.s32 $0x80;
	v11 =	vshra.s32 v7, $0x1F;
	v14 =	vxor.u32 v2, v14;
	v13 =	vshrl.u32 v5, $0x18  }
.LBB2_5:
0x4a: {  	s3 =	sadd.s32 s2, s17;
	s0 =	sadd.s32 $0x4, s0;
	v5 =	vxor.u32 v6, v12;
	v12 =	vand.u32 $0x7F, v13;
	v13 =	vshll.u32 v14, $0x7  }
0x4b: {  	s8 =	sand.u32 $0x40, s2;
	v11 =	vxor.u32 v7, v11;
	s3 =	sand.u32 $0x3F80, s3;
	p0 =	slt.u32 s0, $0x1FC;
	v14 =	vshra.s32 v10, $0x1F;
	v12 =	vor.u32 v13, v12;
	[tilespmem:v9+s11+$0x0] =	vst.idx.add.s32.msk $0xffff, v3  }
0x4c: {  	v7 =	vshrl.u32 v7, $0x1F;
	v9 =	vshrl.u32 v6, $0x1F;
	s3 =	sor.u32 s8, s3;
	v13 =	vxor.u32 v10, v14;
	[tilespmem:v8+s11+$0x0] =	vst.idx.add.s32.msk $0xffff, v3  }
0x4d: {  	v5 =	vshrl.u32 v5, $0x18;
	v8 =	vshrl.u32 v11, $0x18;
	v10 =	vshrl.u32 v10, $0x1F;
	v14 =	vld [tilespmem:s3+$0x30]  }
0x4e: {  	v9 =	vxor.u32 v2, v9;
	v11 =	vxor.u32 v2, v7;
	v13 =	vshrl.u32 v13, $0x18;
	v6 =	vld [tilespmem:s3+$0x0]  }
0x4f: {  	v5 =	vand.u32 $0x7F, v5;
	v8 =	vand.u32 $0x7F, v8;
	v15 =	vxor.u32 v2, v10;
	v7 =	vld [tilespmem:s3+$0x10]  }
.Ltmp5:
0x50: {  	v9 =	vshll.u32 v9, $0x7;
	v11 =	vshll.u32 v11, $0x7;
	v13 =	vand.u32 $0x7F, v13;
	[tilespmem:v12+s11+$0x0] =	vst.idx.add.s32.msk $0xffff, v3;
	(pc) =	sbr.rel @p0 .LBB2_5-.Ltmp5, $4  }
0x51: {  	v9 =	vor.u32 v9, v5;
	v8 =	vor.u32 v11, v8;
	v11 =	vshll.u32 v15, $0x7;
	v10 =	vld [tilespmem:s3+$0x20]  }
0x52: {  	v5 =	vimm.s32 $0x0;
	v15 =	vshra.s32 v14, $0x1F;
	[tilespmem:v4+s11+$0x0] =	vst.idx.add.s32.msk $0xffff, v3;
	v4 =	vor.u32 v11, v13  }
0x53: {  	v12 =	vshra.s32 v6, $0x1F;
	v13 =	vxor.u32 v14, v15;
	v14 =	vshrl.u32 v14, $0x1F  }
0x54: {  	s2 =	sadd.s32 $0x40, s2;
	v11 =	vshra.s32 v7, $0x1F;
	v13 =	vshrl.u32 v13, $0x18;
	v14 =	vxor.u32 v2, v14  }
0x55: {  	v12 =	vxor.u32 v6, v12;
	v13 =	vand.u32 $0x7F, v13;
	v14 =	vshll.u32 v14, $0x7  }
0x56: {  	v11 =	vxor.u32 v7, v11;
	v6 =	vshrl.u32 v6, $0x1F;
	v7 =	vshrl.u32 v7, $0x1F  }
0x57: {  	v15 =	vshra.s32 v10, $0x1F;
	v13 =	vor.u32 v14, v13;
	v12 =	vshrl.u32 v12, $0x18  }
0x58: {  	v11 =	vshrl.u32 v11, $0x18;
	v61 =	vshrl.u32 v10, $0x1F;
	v6 =	vxor.u32 v2, v6  }
0x59: {  	v7 =	vxor.u32 v2, v7;
	v60 =	vxor.u32 v10, v15;
	v12 =	vand.u32 $0x7F, v12  }
0x5a: {  	v11 =	vand.u32 $0x7F, v11;
	v6 =	vshll.u32 v6, $0x7;
	v10 =	vxor.u32 v2, v61  }
0x5b: {  	v7 =	vshll.u32 v7, $0x7;
	v14 =	vshrl.u32 v60, $0x18;
	v6 =	vor.u32 v6, v12  }
0x5c: {  	[tilespmem:v9+s11+$0x0] =	vst.idx.add.s32.msk $0xffff, v3;
	v7 =	vor.u32 v7, v11;
	v10 =	vshll.u32 v10, $0x7;
	v62 =	vand.u32 $0x7F, v14  }
0x5d: {  	[tilespmem:v8+s11+$0x0] =	vst.idx.add.s32.msk $0xffff, v3;
	p1 =	por $0x1, $0x1;
	v63 =	vor.u32 v10, v62  }
.Ltmp6:
0x5e: {  	[tilespmem:v4+s11+$0x0] =	vst.idx.add.s32.msk $0xffff, v3;
	(pc) =	sbr.rel @!p1 .LBB2_7-.Ltmp6, $4  }
0x5f: {  	[tilespmem:v13+s11+$0x0] =	vst.idx.add.s32.msk $0xffff, v3  }
0x60: {  	[tilespmem:v6+s11+$0x0] =	vst.idx.add.s32.msk $0xffff, v3  }
0x61: {  	[tilespmem:v7+s11+$0x0] =	vst.idx.add.s32.msk $0xffff, v3  }
0x62: {  	s21 =	simm.s32 $0x0;
	s22 =	simm.s32 $0x0;
	p0 =	por $0x0, $0x0;
	[tilespmem:v63+s11+$0x0] =	vst.idx.add.s32.msk $0xffff, v3  }
0x63: {  	v4 =	vld [tilespmem:s22+$0xA0F0];
	[tilespmem:s22+$0xA0F0] =	vst v1  }
0x64: {  	v6 =	vld [tilespmem:s22+$0xA000];
	[tilespmem:s22+$0xA000] =	vst v1  }
0x65: {  	v7 =	vld [tilespmem:s22+$0xA010];
	[tilespmem:s22+$0xA010] =	vst v1  }
0x66: {  	v8 =	vld [tilespmem:s22+$0xA020];
	[tilespmem:s22+$0xA020] =	vst v1  }
0x67: {  	v9 =	vld [tilespmem:s22+$0xA030];
	[tilespmem:s22+$0xA030] =	vst v1  }
0x68: {  	v11 =	vld [tilespmem:s22+$0xA040];
	[tilespmem:s22+$0xA040] =	vst v1  }
0x69: {  	v12 =	vld [tilespmem:s22+$0xA050];
	[tilespmem:s22+$0xA050] =	vst v1  }
0x6a: {  	v13 =	vld [tilespmem:s22+$0xA060];
	[tilespmem:s22+$0xA060] =	vst v1  }
0x6b: {  	v14 =	vld [tilespmem:s22+$0xA070];
	[tilespmem:s22+$0xA070] =	vst v1  }
0x6c: {  	v15 =	vld [tilespmem:s22+$0xA080];
	[tilespmem:s22+$0xA080] =	vst v1  }
0x6d: {  	v16 =	vld [tilespmem:s22+$0xA090];
	[tilespmem:s22+$0xA090] =	vst v1;
	p1 =	por $0x1, $0x1;
	v17 =	vimm.s32 $0x0  }
.Ltmp7:
0x6e: {  	v22 =	vld [tilespmem:s22+$0xA0A0];
	[tilespmem:s22+$0xA0A0] =	vst v1;
	v18 =	vimm.s32 $0x0;
	v20 =	vimm.s32 $0x0;
	v19 =	vimm.s32 $0x0;
	(pc) =	sbr.rel @!p1 .LBB2_9-.Ltmp7, $4  }
0x6f: {  	v23 =	vld [tilespmem:s22+$0xA0B0];
	[tilespmem:s22+$0xA0B0] =	vst v1;
	v21 =	vimm.s32 $0x0;
	v4 =	vadd.s32 v5, v4;
	v6 =	vadd.s32 v5, v6  }
0x70: {  	v24 =	vld [tilespmem:s22+$0xA0C0];
	[tilespmem:s22+$0xA0C0] =	vst v1;
	v7 =	vadd.s32 v5, v7;
	v8 =	vadd.s32 v5, v8;
	v10 =	vadd.s32 v5, v9  }
0x71: {  	v25 =	vld [tilespmem:s22+$0xA0D0];
	[tilespmem:s22+$0xA0D0] =	vst v1;
	v11 =	vadd.s32 v5, v11;
	v12 =	vadd.s32 v5, v12;
	v13 =	vadd.s32 v5, v13  }
0x72: {  	v26 =	vld [tilespmem:s22+$0xA0E0];
	s0 =	simm.s32 $0x100;
	s2 =	simm.s32 $0x800;
	[tilespmem:s22+$0xA0E0] =	vst v1;
	p0 =	por $0x1, $0x1;
	v14 =	vadd.s32 v5, v14;
	v15 =	vadd.s32 v5, v15;
	v16 =	vadd.s32 v5, v16  }
.LBB2_10:
0x73: {  	p1 =	sne.s32 s2, $0x3C00;
	v9 =	vld [tilespmem:s0+$0xA0F0];
	[tilespmem:s0+$0xA0F0] =	vst v1;
	v17 =	vadd.s32 v17, v22  }
0x74: {  	v22 =	vld [tilespmem:s0+$0xA000];
	[tilespmem:s0+$0xA000] =	vst v1;
	v18 =	vadd.s32 v18, v23  }
0x75: {  	v23 =	vld [tilespmem:s0+$0xA010];
	[tilespmem:s0+$0xA010] =	vst v1;
	v20 =	vadd.s32 v20, v24  }
0x76: {  	v24 =	vld [tilespmem:s0+$0xA020];
	[tilespmem:s0+$0xA020] =	vst v1;
	v19 =	vadd.s32 v19, v25  }
0x77: {  	v25 =	vld [tilespmem:s0+$0xA030];
	[tilespmem:s0+$0xA030] =	vst v1;
	v21 =	vadd.s32 v21, v26  }
0x78: {  	v26 =	vld [tilespmem:s0+$0xA040];
	[tilespmem:s0+$0xA040] =	vst v1;
	v4 =	vadd.s32 v4, v9  }
0x79: {  	v6 =	vadd.s32 v6, v22;
	v9 =	vld [tilespmem:s0+$0xA050];
	[tilespmem:s0+$0xA050] =	vst v1  }
0x7a: {  	v7 =	vadd.s32 v7, v23;
	v23 =	vld [tilespmem:s0+$0xA060];
	[tilespmem:s0+$0xA060] =	vst v1  }
0x7b: {  	v8 =	vadd.s32 v8, v24;
	v24 =	vld [tilespmem:s0+$0xA070];
	[tilespmem:s0+$0xA070] =	vst v1  }
0x7c: {  	v10 =	vadd.s32 v10, v25;
	v25 =	vld [tilespmem:s0+$0xA080];
	[tilespmem:s0+$0xA080] =	vst v1  }
0x7d: {  	v11 =	vadd.s32 v11, v26;
	v26 =	vld [tilespmem:s0+$0xA090];
	[tilespmem:s0+$0xA090] =	vst v1  }
.Ltmp8:
0x7e: {  	v12 =	vadd.s32 v12, v9;
	v22 =	vld [tilespmem:s0+$0xA0A0];
	[tilespmem:s0+$0xA0A0] =	vst v1;
	(pc) =	sbr.rel @p1 .LBB2_10-.Ltmp8, $4  }
0x7f: {  	v13 =	vadd.s32 v13, v23;
	v23 =	vld [tilespmem:s0+$0xA0B0];
	[tilespmem:s0+$0xA0B0] =	vst v1  }
0x80: {  	v14 =	vadd.s32 v14, v24;
	v24 =	vld [tilespmem:s0+$0xA0C0];
	[tilespmem:s0+$0xA0C0] =	vst v1  }
0x81: {  	v15 =	vadd.s32 v15, v25;
	v25 =	vld [tilespmem:s0+$0xA0D0];
	[tilespmem:s0+$0xA0D0] =	vst v1  }
0x82: {  	v16 =	vadd.s32 v16, v26;
	v26 =	vld [tilespmem:s0+$0xA0E0];
	[tilespmem:s0+$0xA0E0] =	vst v1;
	s0 =	sshra.s32 s2, $0x2;
	s2 =	sadd.s32 $0x400, s2  }
0x83: {  	s22 =	smov.u32 s0  }
.LBB2_12:
0x84: {  	v27 =	vld [tilespmem:s22+$0xA000]  }
0x85: {  	v28 =	vld [tilespmem:s22+$0xA010]  }
0x86: {  	v29 =	vld [tilespmem:s22+$0xA020]  }
0x87: {  	v30 =	vld [tilespmem:s22+$0xA030]  }
0x88: {  	v31 =	vld [tilespmem:s22+$0xA040]  }
0x89: {  	v6 =	vadd.s32 v6, v27  }
0x8a: {  	v7 =	vadd.s32 v7, v28;
	(xrf0) =	vadd.scan.msk.s32 $0xffff, v6  }
0x8b: {  	v8 =	vadd.s32 v8, v29;
	(xrf0) =	vadd.scan.msk.s32 $0xffff, v7  }
0x8c: {  	v32 =	vld [tilespmem:s22+$0xA050];
	v10 =	vadd.s32 v10, v30;
	(xrf0) =	vadd.scan.msk.s32 $0xffff, v8  }
0x8d: {  	v33 =	vld [tilespmem:s22+$0xA060];
	v11 =	vadd.s32 v11, v31;
	(xrf0) =	vadd.scan.msk.s32 $0xffff, v10  }
0x8e: {  	v34 =	vld [tilespmem:s22+$0xA070];
	(xrf0) =	vadd.scan.msk.s32 $0xffff, v11  }
0x8f: {  	v35 =	vld [tilespmem:s22+$0xA080]  }
0x90: {  	v58, _, _ =	vpop (xrf0)  }
0x91: {  	v12 =	vadd.s32 v12, v32;
	(v2sf) =	vpush v58, $0xF;
	v59, _, _ =	vpop (xrf0)  }
0x92: {  	v13 =	vadd.s32 v13, v33;
	(xrf0) =	vadd.scan.msk.s32 $0xffff, v12;
	(v2sf) =	vpush v59, $0xF;
	v61, _, _ =	vpop (xrf0)  }
0x93: {  	v17 =	vadd.s32 @p0 v17, v22;
	v22 =	vld [tilespmem:s22+$0xA0C0];
	v14 =	vadd.s32 v14, v34;
	(xrf0) =	vadd.scan.msk.s32 $0xffff, v13;
	(v2sf) =	vpush v61, $0xF;
	v62, _, _ =	vpop (xrf0)  }
0x94: {  	v15 =	vadd.s32 v15, v35;
	(xrf0) =	vadd.scan.msk.s32 $0xffff, v14;
	(v2sf) =	vpush v62, $0xF;
	v63, _, _ =	vpop (xrf0)  }
0x95: {  	v36 =	vld [tilespmem:s22+$0xA090];
	(xrf0) =	vadd.scan.msk.s32 $0xffff, v15;
	(v2sf) =	vpush v63, $0xF  }
0x96: {  	v20 =	vadd.s32 @p0 v20, v24;
	v21 =	vadd.s32 @p0 v21, v26  }
0x97: {  	v9 =	vld [tilespmem:s22+$0xA0F0];
	v18 =	vadd.s32 @p0 v18, v23;
	v17 =	vpsel p0, v17, v5;
	v20 =	vpsel p0, v20, v5  }
0x98: {  	[tilespmem:s22+$0xA0F0] =	vst v1;
	v56 =	vld [tilespmem:s22+$0xA0A0];
	v18 =	vpsel p0, v18, v5;
	v19 =	vadd.s32 @p0 v19, v25;
	v20 =	vadd.s32 v20, v22;
	v22, _, _ =	vpop (xrf0)  }
0x99: {  	[tilespmem:s22+$0xA000] =	vst v1;
	v57 =	vld [tilespmem:s22+$0xA0B0];
	v19 =	vpsel p0, v19, v5;
	v5 =	vpsel p0, v21, v5;
	(v2sf) =	vpush v22, $0xF;
	v21, _, _ =	vpop (xrf0)  }
0x9a: {  	[tilespmem:s22+$0xA010] =	vst v1;
	v16 =	vadd.s32 v16, v36;
	(v2sf) =	vpush v21, $0xF;
	v21, _, _ =	vpop (xrf0)  }
0x9b: {  	[tilespmem:s22+$0xA020] =	vst v1;
	v23 =	vld [tilespmem:s22+$0xA0D0];
	(xrf0) =	vadd.scan.msk.s32 $0xffff, v16;
	(v2sf) =	vpush v21, $0xF;
	v21, _, _ =	vpop (xrf0)  }
0x9c: {  	[tilespmem:s22+$0xA030] =	vst v1;
	v60 =	vld [tilespmem:s22+$0xA0E0];
	(v2sf) =	vpush v21, $0xF  }
0x9d: {  	[tilespmem:s22+$0xA040] =	vst v1;
	v17 =	vadd.s32 v17, v56  }
0x9e: {  	[tilespmem:s22+$0xA050] =	vst v1;
	v18 =	vadd.s32 v18, v57;
	(xrf0) =	vadd.scan.msk.s32 $0xffff, v17  }
0x9f: {  	[tilespmem:s22+$0xA060] =	vst v1;
	(xrf0) =	vadd.scan.msk.s32 $0xffff, v18  }
0xa0: {  	[tilespmem:s22+$0xA070] =	vst v1;
	v19 =	vadd.s32 v19, v23;
	(xrf0) =	vadd.scan.msk.s32 $0xffff, v20;
	s23 =	spop (v2sf)  }
0xa1: {  	[tilespmem:s22+$0xA080] =	vst v1;
	v5 =	vadd.s32 v5, v60;
	(xrf0) =	vadd.scan.msk.s32 $0xffff, v19;
	v22, _, _ =	vpop (xrf0);
	s0 =	spop (v2sf)  }
0xa2: {  	[tilespmem:s22+$0xA090] =	vst v1;
	(xrf0) =	vadd.scan.msk.s32 $0xffff, v5;
	(v2sf) =	vpush v22, $0xF;
	s2 =	spop (v2sf);
	s29 =	sadd.s32 s23, s0  }
0xa3: {  	[tilespmem:s22+$0xA0A0] =	vst v1;
	s3 =	spop (v2sf);
	s28 =	sadd.s32 s2, s29  }
0xa4: {  	[tilespmem:s22+$0xA0B0] =	vst v1;
	v21, _, _ =	vpop (xrf0);
	p0 =	slt.s32 s23, $0x1000;
	s8 =	spop (v2sf);
	s26 =	sadd.s32 s3, s28  }
0xa5: {  	[tilespmem:s22+$0xA0C0] =	vst v1;
	v22, _, _ =	vpop (xrf0);
	(v2sf) =	vpush v21, $0xF;
	s25 =	sadd.s32 s8, s26;
	s8 =	simm.s32 @!p0 $0x0  }
0xa6: {  	[tilespmem:s22+$0xA0D0] =	vst v1;
	v21, _, _ =	vpop (xrf0);
	(v2sf) =	vpush v22, $0xF;
	s8 =	simm.s32 @p0 $0x1  }
0xa7: {  	v22, _, _ =	vpop (xrf0);
	(v2sf) =	vpush v21, $0xF;
	[smem:$0x7F5] =	sst s8;
	s8 =	simm.s32 $0x1  }
0xa8: {  	(v2sf) =	vpush v22, $0xF;
	v21, _, _ =	vpop (xrf0);
	s9 =	spop (v2sf);
	s8 =	simm.s32 @!p0 $0x0;
	p0 =	slt.s32 s29, $0x1000  }
0xa9: {  	(v2sf) =	vpush v21, $0xF;
	s20 =	spop (v2sf);
	s24 =	sadd.s32 s9, s25;
	s9 =	simm.s32 @!p0 $0x0  }
0xaa: {  	s30 =	spop (v2sf);
	s20 =	sadd.s32 s20, s24;
	s9 =	simm.s32 @p0 $0x1  }
0xab: {  	s31 =	spop (v2sf);
	[smem:$0x7F6] =	sst s9;
	s9 =	simm.s32 $0x1  }
0xac: {  	s2 =	sadd.s32 s30, s20;
	s9 =	simm.s32 @!p0 $0x0;
	p0 =	slt.s32 s28, $0x1000  }
0xad: {  	s0 =	sadd.s32 s31, s2;
	s31 =	simm.s32 $0x1;
	s30 =	simm.s32 @!p0 $0x0  }
0xae: {  	s31 =	simm.s32 @!p0 $0x0;
	s30 =	simm.s32 @p0 $0x1;
	p0 =	slt.s32 s26, $0x1000  }
0xaf: {  	s9 =	sadd.s32 s8, s9;
	s8 =	simm.s32 @!p0 $0x0  }
0xb0: {  	s8 =	simm.s32 @p0 $0x1  }
0xb1: {  	s5 =	spop (v2sf);
	[smem:$0x7F8] =	sst s8;
	s8 =	simm.s32 $0x1  }
0xb2: {  	[smem:$0x7F7] =	sst s30;
	s8 =	simm.s32 @!p0 $0x0;
	p0 =	slt.s32 s25, $0x1000  }
0xb3: {  	s30 =	sadd.s32 s5, s0;
	s5 =	sadd.s32 s31, s9;
	s9 =	simm.s32 @!p0 $0x0  }
0xb4: {  	s6 =	spop (v2sf);
	s9 =	simm.s32 @p0 $0x1  }
0xb5: {  	s3 =	spop (v2sf);
	[smem:$0x7F9] =	sst s9;
	s9 =	simm.s32 $0x1  }
0xb6: {  	s7 =	spop (v2sf);
	s9 =	simm.s32 @!p0 $0x0;
	p0 =	slt.s32 s24, $0x1000  }
0xb7: {  	s14 =	spop (v2sf);
	s31 =	sadd.s32 s6, s30;
	s6 =	simm.s32 @!p0 $0x0  }
0xb8: {  	s15 =	spop (v2sf);
	p5 =	slt.s32 s30, $0x1000;
	s6 =	simm.s32 @p0 $0x1  }
0xb9: {  	p4 =	slt.s32 s31, $0x1000;
	[smem:$0x7FA] =	sst s6;
	s6 =	simm.s32 $0x1  }
0xba: {  	s5 =	sadd.s32 s8, s5;
	s6 =	simm.s32 @!p0 $0x0;
	p0 =	slt.s32 s20, $0x1000  }
0xbb: {  	s5 =	sadd.s32 s9, s5;
	s9 =	simm.s32 $0x1;
	s8 =	simm.s32 @!p0 $0x0  }
0xbc: {  	s6 =	sadd.s32 s6, s5;
	s9 =	simm.s32 @!p0 $0x0;
	s8 =	simm.s32 @p0 $0x1  }
0xbd: {  	s5 =	simm.s32 $0x1;
	p0 =	slt.s32 s2, $0x1000;
	[smem:$0x7FB] =	sst s8  }
0xbe: {  	s8 =	sadd.s32 s3, s31;
	s3 =	sadd.s32 s9, s6;
	s6 =	simm.s32 @!p0 $0x0  }
0xbf: {  	s5 =	simm.s32 @!p0 $0x0;
	s6 =	simm.s32 @p0 $0x1;
	p0 =	slt.s32 s0, $0x1000  }
0xc0: {  	s3 =	sadd.s32 s5, s3;
	p3 =	slt.s32 s8, $0x1000;
	s9 =	simm.s32 @!p0 $0x0  }
0xc1: {  	[smem:$0x7FC] =	sst s6;
	s6 =	simm.s32 $0x1;
	s9 =	simm.s32 @p0 $0x1  }
0xc2: {  	s6 =	simm.s32 @!p0 $0x0;
	[smem:$0x7FD] =	sst s9;
	s9 =	sadd.s32 s7, s8  }
0xc3: {  	s5 =	sadd.s32 s6, s3;
	s6 =	simm.s32 $0x1;
	s7 =	simm.s32 $0x1  }
0xc4: {  	s6 =	simm.s32 @!p5 $0x0;
	s3 =	sadd.s32 s14, s9;
	s7 =	simm.s32 @!p4 $0x0  }
0xc5: {  	p2 =	slt.s32 s9, $0x1000;
	s5 =	sadd.s32 s6, s5;
	s6 =	simm.s32 $0x1  }
0xc6: {  	s14 =	sadd.s32 s15, s3;
	p1 =	slt.s32 s3, $0x1000;
	s5 =	sadd.s32 s7, s5  }
0xc7: {  	s6 =	simm.s32 @!p3 $0x0;
	s7 =	simm.s32 $0x1;
	p0 =	slt.s32 s14, $0x1000  }
0xc8: {  	s5 =	sadd.s32 s6, s5;
	s7 =	simm.s32 @!p2 $0x0;
	s6 =	simm.s32 $0x1  }
0xc9: {  	s5 =	sadd.s32 s7, s5;
	s6 =	simm.s32 @!p1 $0x0;
	s7 =	simm.s32 $0x1  }
0xca: {  	s15 =	sld [smem:$0x7F5];
	s5 =	sadd.s32 s6, s5;
	s7 =	simm.s32 @!p0 $0x0  }
0xcb: {  	s5 =	sadd.s32 s7, s5  }
0xcc: {  	s7 =	sld [smem:$0x7F6];
	v21 =	vmov s5  }
0xcd: {  	v4 =	vadd.s32 v4, v9;
	p6 =	seq.s32 s15, $0x1;
	s15 =	sld [smem:$0x7F7];
	vm0 =	veq.s32 v21, $0xE  }
0xce: {  	v4 =	vsel vm0, v5, v4;
	vm0 =	veq.s32 v21, $0xD  }
0xcf: {  	s23 =	simm.s32 @!p6 $0x0;
	p6 =	seq.s32 s7, $0x1;
	v4 =	vsel vm0, v19, v4;
	vm0 =	veq.s32 v21, $0xC  }
0xd0: {  	s23 =	smov.u32 @p6 s29;
	p6 =	seq.s32 s15, $0x1;
	v4 =	vsel vm0, v20, v4;
	vm0 =	veq.s32 v21, $0xB  }
0xd1: {  	s23 =	smov.u32 @p6 s28;
	s28 =	sld [smem:$0x7F8];
	v4 =	vsel vm0, v18, v4;
	vm0 =	veq.s32 v21, $0xA  }
0xd2: {  	s29 =	sld [smem:$0x7F9];
	v4 =	vsel vm0, v17, v4;
	vm0 =	veq.s32 v21, $0x9  }
0xd3: {  	s7 =	sld [smem:$0x7FA];
	v4 =	vsel vm0, v16, v4;
	vm0 =	veq.s32 v21, $0x8  }
0xd4: {  	s15 =	sld [smem:$0x7FB];
	p6 =	seq.s32 s28, $0x1;
	v4 =	vsel vm0, v15, v4;
	vm0 =	veq.s32 v21, $0x7  }
0xd5: {  	s23 =	smov.u32 @p6 s26;
	p6 =	seq.s32 s29, $0x1;
	v4 =	vsel vm0, v14, v4;
	vm0 =	veq.s32 v21, $0x6  }
0xd6: {  	s23 =	smov.u32 @p6 s25;
	p6 =	seq.s32 s7, $0x1;
	v4 =	vsel vm0, v13, v4;
	vm0 =	veq.s32 v21, $0x5  }
0xd7: {  	s23 =	smov.u32 @p6 s24;
	p6 =	seq.s32 s15, $0x1;
	v4 =	vsel vm0, v12, v4;
	vm0 =	veq.s32 v21, $0x4  }
0xd8: {  	s23 =	smov.u32 @p6 s20;
	s20 =	sld [smem:$0x7FC];
	v4 =	vsel vm0, v11, v4;
	vm0 =	veq.s32 v21, $0x3  }
0xd9: {  	s24 =	sld [smem:$0x7FD];
	v4 =	vsel vm0, v10, v4;
	vm0 =	veq.s32 v21, $0x2  }
0xda: {  	v4 =	vsel vm0, v8, v4;
	vm0 =	veq.s32 v21, $0x1  }
0xdb: {  	p6 =	seq.s32 s20, $0x1;
	v4 =	vsel vm0, v7, v4;
	vm0 =	veq.s32 v21, $0x0  }
0xdc: {  	s23 =	smov.u32 @p6 s2;
	p6 =	seq.s32 s24, $0x1;
	v4 =	vsel vm0, v6, v4  }
0xdd: {  	s23 =	smov.u32 @p6 s0;
	(xrf0) =	vadd.scan.msk.s32 $0xffff, v4  }
0xde: {  	s23 =	smov.u32 @p5 s30  }
0xdf: {  	s23 =	smov.u32 @p4 s31  }
0xe0: {  	s23 =	smov.u32 @p3 s8  }
0xe1: {  	s23 =	smov.u32 @p2 s9  }
0xe2: {  	s23 =	smov.u32 @p1 s3  }
0xe3: {  	s23 =	smov.u32 @p0 s14;
	v4, _, _ =	vpop (xrf0)  }
0xe4: {  	v4 =	vadd.s32 s23, v4  }
0xe5: {  	vm0 =	vlt.s32 v4, $0x1000  }
0xe6: {  	v5 =	vmpcnt.ones.xlane vm0  }
0xe7: {  	s25 =	sshll.u32 s5, $0x4  }
0xe8: {  	v5 =	vadd.s32 s25, v5  }
0xe9: {  	v5 =	vxor.u32 $0x80000000, v5  }
0xea: {  	(xrf0) =	vmax.scan.msk.u32 $0xffff, v5;
	_ =	sdelay $0x5  }
0xeb: {  	v5, _, _ =	vpop (xrf0)  }
0xec: {  	(v2sf) =	vpush v5, $0xF;
	_ =	sdelay $0xe  }
0xed: {  	s26 =	spop (v2sf)  }
0xee: {  	s28 =	sadd.s32 $0x0, s17;
	s20 =	sshll.u32 s26, $0x18  }
0xef: {  	p0 =	sgt.u32 s26, $0x8000007F;
	s0 =	sxor.u32 $0x80000000, s20;
	s2 =	sxor.u32 $0xFF000000, s20  }
0xf0: {  	s29 =	sand.u32 $0x40, s21;
	s2 =	smov.u32 @p0 s0;
	s0 =	sand.u32 $0x3F80, s28  }
0xf1: {  	[tilespmem:s22+$0xA0E0] =	vst v1;
	s0 =	sor.u32 s29, s0  }
0xf2: {  	v9 =	vld [tilespmem:s0+$0x20]  }
0xf3: {  	v6 =	vld [tilespmem:s0+$0x30]  }
0xf4: {  	v8 =	vld [tilespmem:s0+$0x0]  }
0xf5: {  	s3 =	sadd.s32 $0x81000000, s20;
	s5 =	ssub.s32 $0x0, s20  }
0xf6: {  	s5 =	smov.u32 @p0 s3  }
0xf7: {  	v10 =	vmov s2;
	v12 =	vmov s5;
	v7 =	vld [tilespmem:s0+$0x10]  }
0xf8: {  	vm1 =	vge.s32 v9, v10;
	vm2 =	vlt.s32 v9, v12;
	vm3 =	vge.s32 v6, v10  }
0xf9: {  	vm5 =	vge.s32 v8, v10;
	vm2 =	vmand vm1, vm2;
	vm1 =	vlt.s32 v8, v12  }
0xfa: {  	vm4 =	vlt.s32 v6, v12;
	v11 =	vsel vm2, $0x1, v1;
	vm5 =	vmand vm5, vm1  }
0xfb: {  	v16 =	vimm.s32 $0x0;
	vm3 =	vmand vm3, vm4;
	(xrf0) =	vadd.scan.msk.s32 $0xffff, v11;
	v11 =	vsel vm5, $0x1, v1  }
0xfc: {  	vm4 =	vge.s32 v7, v10;
	vm1 =	vlt.s32 v7, v12;
	v13 =	vsel vm3, $0x1, v1;
	(xrf0) =	vadd.scan.msk.s32 $0xffff, v11  }
0xfd: {  	s30 =	sadd.s32 $0x40, s17;
	s0 =	simm.s32 $0x40;
	vm6 =	vmand vm4, vm1;
	v14 =	vmpcnt.ones.xlane vm5;
	vm1 =	vmmov vm3  }
0xfe: {  	s2 =	sand.u32 $0x3F80, s30;
	s31 =	sand.u32 $0x40, s0;
	v15 =	vsel vm6, $0x1, v1;
	v19 =	vmpcnt.ones.xlane vm1;
	(xrf0) =	vadd.scan.msk.s32 $0xffff, v13;
	v13 =	vmpcnt.ones.xlane vm6  }
0xff: {  	s3 =	sor.u32 s31, s2;
	v17 =	vadd.s32 v16, v14;
	(xrf0) =	vadd.scan.msk.s32 $0xffff, v15;
	v15 =	vmpcnt.ones.xlane vm2  }
0x100: {  	v11 =	vld [tilespmem:s3+$0x30];
	v13 =	vadd.s32 v17, v13  }
0x101: {  	v14 =	vld [tilespmem:s3+$0x20];
	v20 =	vadd.s32 v13, v15;
	v18, _, _ =	vpop (xrf0)  }
0x102: {  	vm4 =	vmmov vm2;
	v15 =	vadd.s32 v20, v19;
	v18 =	vadd.s32 v18, v13;
	v19, _, _ =	vpop (xrf0)  }
0x103: {  	v18 =	vadd.s32 $0xFFFFFFFF, v18;
	v19 =	vadd.s32 v19, v16;
	v16 =	vld [tilespmem:s3+$0x0]  }
0x104: {  	v5 =	vmov s23;
	vm3 =	vmmov vm5;
	v13 =	vld [tilespmem:s3+$0x10]  }
0x105: {  	vm2 =	vmmov vm6;
	vm5 =	vge.s32 v11, v10;
	vm7 =	vlt.s32 v11, v12;
	v22, _, _ =	vpop (xrf0)  }
0x106: {  	s2 =	simm.s32 $0x4;
	vm6 =	vge.s32 v14, v10;
	vm8 =	vlt.s32 v14, v12;
	v19 =	vadd.s32 $0xFFFFFFFF, v19;
	v21, _, _ =	vpop (xrf0)  }
.LBB2_13:
0x107: {  	s2 =	sadd.s32 $0x4, s2;
	vm6 =	vmand vm6, vm8;
	vm5 =	vmand vm5, vm7;
	v20 =	vadd.s32 v22, v20;
	v22 =	vmovc v15  }
0x108: {  	p0 =	slt.u32 s2, $0x1FC;
	vm7 =	vlt.s32 v16, v12;
	v23 =	vsel vm6, $0x1, v1;
	[tilespmem:v18+s12+$0x0] =	vst.idx.msk vm4, v9;
	v18 =	vadd.s32 $0xFFFFFFFF, v20;
	v9 =	vmovc v14  }
0x109: {  	vm8 =	vlt.s32 v13, v12;
	vm4 =	vge.s32 v16, v10;
	v14 =	vadd.s32 v21, v17;
	(xrf0) =	vadd.scan.msk.s32 $0xffff, v23  }
0x10a: {  	s0 =	sadd.s32 $0x40, s0;
	vm9 =	vmand vm4, vm7;
	vm4 =	vge.s32 v13, v10;
	v20 =	vadd.s32 $0xFFFFFFFF, v14  }
0x10b: {  	s3 =	sadd.s32 s0, s17;
	v14 =	vsel vm9, $0x1, v1;
	v17 =	vmpcnt.ones.xlane vm9;
	vm7 =	vmand vm4, vm8;
	[tilespmem:v19+s12+$0x0] =	vst.idx.msk vm3, v8;
	v8 =	vmovc v16  }
0x10c: {  	s5 =	sand.u32 $0x40, s0;
	v21 =	vsel vm5, $0x1, v1;
	s3 =	sand.u32 $0x3F80, s3;
	v16 =	vsel vm7, $0x1, v1;
	v19 =	vmpcnt.ones.xlane vm6;
	(xrf0) =	vadd.scan.msk.s32 $0xffff, v14  }
0x10d: {  	s3 =	sor.u32 s5, s3;
	vm4 =	vmmov vm6;
	v23 =	vmpcnt.ones.xlane vm7;
	(xrf0) =	vadd.scan.msk.s32 $0xffff, v21;
	[tilespmem:v18+s12+$0x0] =	vst.idx.msk vm1, v6;
	v6 =	vmovc v11  }
0x10e: {  	vm3 =	vmmov vm9;
	v17 =	vadd.s32 v15, v17;
	vm1 =	vmmov vm5;
	v11 =	vld [tilespmem:s3+$0x30];
	(xrf0) =	vadd.scan.msk.s32 $0xffff, v16  }
0x10f: {  	v15 =	vadd.s32 v17, v23;
	v21 =	vmpcnt.ones.xlane vm1;
	v14 =	vld [tilespmem:s3+$0x20];
	v16, _, _ =	vpop (xrf0);
	[tilespmem:v20+s12+$0x0] =	vst.idx.msk vm2, v7;
	v7 =	vmov v13  }
.Ltmp9:
0x110: {  	v20 =	vadd.s32 v15, v19;
	vm2 =	vmmov vm7;
	v13 =	vld [tilespmem:s3+$0x10];
	v18 =	vadd.s32 v16, v15;
	(pc) =	sbr.rel @p0 .LBB2_13-.Ltmp9, $4  }
0x111: {  	v15 =	vadd.s32 v20, v21;
	v16 =	vld [tilespmem:s3+$0x0];
	v18 =	vadd.s32 $0xFFFFFFFF, v18  }
0x112: {  	v19, _, _ =	vpop (xrf0)  }
0x113: {  	vm5 =	vge.s32 v11, v10;
	vm7 =	vlt.s32 v11, v12;
	v19 =	vadd.s32 v19, v22;
	v22, _, _ =	vpop (xrf0)  }
0x114: {  	vm6 =	vge.s32 v14, v10;
	vm8 =	vlt.s32 v14, v12;
	v19 =	vadd.s32 $0xFFFFFFFF, v19;
	v21, _, _ =	vpop (xrf0)  }
0x115: {  	_ = 	snop  }
0x116: {  	vm6 =	vmand vm6, vm8;
	vm15 =	vlt.s32 v16, v12;
	vm9 =	vge.s32 v16, v10  }
0x117: {  	v47 =	vsel vm6, $0x1, v1;
	vm8 =	vmand vm9, vm15  }
0x118: {  	(xrf0) =	vadd.scan.msk.s32 $0xffff, v47;
	v48 =	vsel vm8, $0x1, v1  }
0x119: {  	(xrf0) =	vadd.scan.msk.s32 $0xffff, v48  }
0x11a: {  	vm12 =	vlt.s32 v13, v12;
	vm5 =	vmand vm5, vm7;
	vm13 =	vge.s32 v13, v10  }
0x11b: {  	vm7 =	vmand vm13, vm12;
	v49 =	vsel vm5, $0x1, v1  }
0x11c: {  	v5 =	vsel vm0, v4, v5;
	v50 =	vsel vm7, $0x1, v1;
	(xrf0) =	vadd.scan.msk.s32 $0xffff, v49  }
0x11d: {  	v4 =	vxor.u32 $0x80000000, v4;
	v5 =	vxor.u32 $0x80000000, v5;
	(xrf0) =	vadd.scan.msk.s32 $0xffff, v50  }
0x11e: {  	v4 =	vsel vm0, $0xC0000000, v4;
	v55, _, _ =	vpop (xrf0);
	(xrf0) =	vmax.scan.msk.u32 $0xffff, v5  }
0x11f: {  	v56, _, _ =	vpop (xrf0);
	(xrf0) =	vmin.scan.msk.u32 $0xffff, v4;
	_ =	sdelay $0x2  }
0x120: {  	v58, _, _ =	vpop (xrf0)  }
0x121: {  	v60, _, _ =	vpop (xrf0)  }
0x122: {  	v4, _, _ =	vpop (xrf0)  }
0x123: {  	(v2sf) =	vpush v4, $0xF;
	v4, _, _ =	vpop (xrf0)  }
0x124: {  	(v2sf) =	vpush v4, $0xF;
	_ =	sdelay $0x9  }
0x125: {  	v51 =	vmpcnt.ones.xlane vm8  }
0x126: {  	v52 =	vadd.s32 v22, v20;
	v53 =	vmpcnt.ones.xlane vm7  }
0x127: {  	v17 =	vadd.s32 v21, v17;
	v54 =	vmpcnt.ones.xlane vm6;
	v12 =	vadd.s32 v15, v51  }
0x128: {  	v10 =	vadd.s32 $0xFFFFFFFF, v52;
	v17 =	vadd.s32 $0xFFFFFFFF, v17;
	v20 =	vadd.s32 v12, v53  }
0x129: {  	vm6 =	vmmov vm6;
	vm8 =	vmmov vm8;
	v22 =	vadd.s32 v55, v20;
	s0 =	spop (v2sf)  }
0x12a: {  	v20 =	vadd.s32 v20, v54;
	v22 =	vadd.s32 $0xFFFFFFFF, v22;
	v57 =	vadd.s32 v56, v15;
	s2 =	spop (v2sf)  }
0x12b: {  	[tilespmem:v18+s12+$0x0] =	vst.idx.msk vm4, v9;
	v59 =	vadd.s32 $0xFFFFFFFF, v57;
	v61 =	vadd.s32 v58, v20;
	s0 =	sxor.u32 $0x80000000, s0;
	s2 =	sxor.u32 $0x80000000, s2  }
0x12c: {  	[tilespmem:v19+s12+$0x0] =	vst.idx.msk vm3, v8;
	v62 =	vadd.s32 $0xFFFFFFFF, v61;
	v12 =	vadd.s32 v60, v12;
	s22 =	ssub.s32 s2, s0  }
0x12d: {  	[tilespmem:v10+s12+$0x0] =	vst.idx.msk vm1, v6;
	v63 =	vadd.s32 $0xFFFFFFFF, v12;
	p0 =	sgt.s32 s22, $0x10  }
.Ltmp10:
0x12e: {  	[tilespmem:v17+s12+$0x0] =	vst.idx.msk vm2, v7;
	(pc) =	sbr.rel @!p0 .LBB2_15-.Ltmp10, $4  }
0x12f: {  	[tilespmem:v22+s12+$0x0] =	vst.idx.msk vm6, v14  }
0x130: {  	[tilespmem:v59+s12+$0x0] =	vst.idx.msk vm8, v16  }
0x131: {  	[tilespmem:v62+s12+$0x0] =	vst.idx.msk vm5, v11  }
0x132: {  	s23 =	simm.s32 $0x0;
	vm14 =	vmmov vm5;
	vm15 =	vmmov vm7;
	[tilespmem:v63+s12+$0x0] =	vst.idx.msk vm7, v13;
	s21 =	ssub.s32 $0xFFF, s0  }
.Ltmp11:
0x133: {  	(pc) =	sbr.rel .LBB2_17-.Ltmp11, $2  }
0x134: {  	_ =	sdelay $0x2  }
0x135: {  	s24 =	simm.s32 $0x2000;
	s26 =	simm.s32 $0x4000;
	s25 =	simm.s32 $0x17  }
.LBB2_18:
0x136: {  	v6 =	vimm.s32 $0x0  }
.LBB2_19:
0x137: {  	s0 =	ssub.s32 s30, s31  }
0x138: {  	p0 =	slt.s32 s0, $0x1  }
0x139: {  	s0 =	sshll.u32 @!p0 s31, $0x4  }
0x13a: {  	s2 =	sadd.s32 @!p0 s0, s23  }
0x13b: {  	v5 =	vld @!p0 [tilespmem:s2+$0x4000];
	_ =	sdelay $0x4  }
0x13c: {  	v7 =	vshra.s32 @!p0 v5, $0x1F  }
0x13d: {  	v8 =	vlaneseq.u32 @!p0;
	v7 =	vand.u32 @!p0 $0x7FFFFFFF, v7  }
0x13e: {  	v8 =	vor.u32 @!p0 s0, v8;
	v7 =	vxor.u32 @!p0 v5, v7  }
0x13f: {  	vm0 =	vlt.s32 @!p0 v8, s22;
	vm1 =	vlt.s32 @!p0 v7, s29  }
0x140: {  	v7 =	vimm.s32 @!p0 $0x0;
	vm1 =	vmand @!p0 vm0, vm1  }
0x141: {  	vm0 =	vmxor @!p0 vm0, vm1;
	v8 =	vsel @!p0 vm1, $0x1, v7  }
0x142: {  	(xrf0) =	vadd.scan.msk.s32 @!p0 $0xffff, v8;
	v7 =	vsel @!p0 vm0, $0x1, v7  }
0x143: {  	(xrf0) =	vadd.scan.msk.s32 @!p0 $0xffff, v7;
	_ =	sdelay $0x4  }
0x144: {  	v7, _, _ =	vpop @!p0 (xrf0)  }
0x145: {  	v7 =	vadd.s32 @!p0 v7, v11;
	v9, _, _ =	vpop @!p0 (xrf0)  }
0x146: {  	v7 =	vadd.s32 @!p0 $0xFFFFFFFF, v7;
	v4 =	vadd.s32 @!p0 v9, v4  }
0x147: {  	v4 =	vadd.s32 @!p0 $0xFFFFFFFF, v4;
	_ =	sdelay $0x2  }
0x148: {  	s0 =	simm.s32 @!p0 $0x4000  }
0x149: {  	[tilespmem:v7+s0+$0x0] =	vst.idx.msk @!p0 vm1, v5;
	v7 =	vadd.s32 @!p0 v8, v6  }
0x14a: {  	[tilespmem:v4+s0+$0x0] =	vst.idx.msk @!p0 vm0, v5;
	v4 =	vpsel p0, v6, v7  }
0x14b: {  	(xrf0) =	vadd.scan.msk.s32 $0xffff, v4;
	_ =	sdelay $0x5  }
0x14c: {  	v4, _, _ =	vpop (xrf0)  }
0x14d: {  	(v2sf) =	vpush v4, $0xF;
	_ =	sdelay $0xe  }
0x14e: {  	s2 =	spop (v2sf)  }
0x14f: {  	p0 =	slt.s32 s21, s2;
	s22 =	ssub.s32 s22, s2  }
0x150: {  	p1 =	sne.s32 s25, $0x0;
	s0 =	smov.u32 s26;
	s22 =	smov.u32 @p0 s2  }
0x151: {  	s0 =	smov.u32 @p0 s24;
	s24 =	smov.u32 @p0 s26;
	p2 =	slt.s32 s22, $0x11  }
0x152: {  	s28 =	smov.u32 @p0 s20;
	s2 =	simm.s32 @p0 $0x0;
	p0 =	por p2, !p1  }
.Ltmp12:
0x153: {  	_ = 	snop;
	(pc) =	sbr.rel @p0 .LBB2_20-.Ltmp12, $3  }
0x154: {  	_ =	sdelay $0x1  }
0x155: {  	s25 =	sadd.s32 $0xFFFFFFFF, s25;
	s26 =	smov.u32 s24;
	s24 =	smov.u32 s23  }
0x156: {  	s21 =	ssub.s32 s21, s2;
	s23 =	smov.u32 s0;
	s20 =	smov.u32 s28  }
.LBB2_17:
0x157: {  	s0 =	sadd.s32 $0xF, s22  }
0x158: {  	s2 =	sand.u32 $0xF, s0  }
0x159: {  	s3 =	sshra.s32 s0, $0x1F;
	p0 =	slt.s32 s0, $0x0;
	p1 =	sne.s32 s2, $0x0  }
0x15a: {  	s14 =	sshrl.u32 s3, $0x1C;
	p0 =	por !p0, !p1  }
0x15b: {  	s2 =	simm.s32 $0x1;
	s0 =	sadd.s32 s14, s0;
	p0 =	por !p0, !p0  }
0x15c: {  	s0 =	sshra.s32 s0, $0x4;
	s2 =	simm.s32 @!p0 $0x0  }
0x15d: {  	s30 =	ssub.s32 s0, s2  }
0x15e: {  	s0 =	sshrl.u32 s30, $0x1F  }
0x15f: {  	s0 =	sadd.s32 s0, s30  }
0x160: {  	s31 =	sand.u32 $0xFFFFFFFE, s0  }
0x161: {  	p0 =	slt.s32 s31, $0x1  }
.Ltmp13:
0x162: {  	_ = 	snop;
	(pc) =	sbr.rel @p0 .LBB2_18-.Ltmp13, $4  }
0x163: {  	_ = 	snop  }
0x164: {  	s15 =	sshll.u32 s10, s25  }
0x165: {  	s28 =	sor.u32 s20, s15  }
0x166: {  	v11 =	vmov s24;
	v4 =	vmov s26;
	s29 =	sxor.u32 $0x80000000, s28  }
0x167: {  	s0 =	sshll.u32 s23, $0x2  }
0x168: {  	s0 =	sshra.s32 s0, $0x2  }
0x169: {  	s0 =	sadd.s32 $0x4010, s0  }
0x16a: {  	v6 =	vld [tilespmem:s0+$0x0];
	_ =	sdelay $0x1  }
0x16b: {  	v5 =	vld [tilespmem:s0+$0xFFFFFFF0];
	_ =	sdelay $0x2  }
0x16c: {  	p1 =	sgt.s32 s31, $0x2;
	v10 =	vshra.s32 v6, $0x1F  }
.Ltmp14:
0x16d: {  	v8 =	vmov s22;
	v9 =	vmov s29;
	s2 =	simm.s32 $0x10;
	v10 =	vand.u32 $0x7FFFFFFF, v10;
	(pc) =	sbr.rel @!p1 .LBB2_23-.Ltmp14, $4  }
0x16e: {  	v12 =	vor.u32 s2, v0;
	v13 =	vshra.s32 v5, $0x1F;
	v10 =	vxor.u32 v6, v10  }
0x16f: {  	vm0 =	vlt.s32 v12, v8;
	v63 =	vand.u32 $0x7FFFFFFF, v13;
	vm1 =	vlt.s32 v10, v9  }
0x170: {  	v7 =	vimm.s32 $0x0;
	v10 =	vxor.u32 v5, v63;
	vm3 =	vmand vm0, vm1  }
0x171: {  	s9 =	simm.s32 $0x0;
	p0 =	por $0x0, $0x0;
	vm6 =	vlt.s32 v10, v9;
	vm5 =	vmxor vm0, vm3;
	v10 =	vsel vm3, $0x1, v1  }
0x172: {  	v12 =	vor.u32 s9, v0  }
0x173: {  	(xrf0) =	vadd.scan.msk.s32 $0xffff, v10;
	vm1 =	vlt.s32 v12, v8;
	v12 =	vsel vm5, $0x1, v1  }
0x174: {  	vm0 =	vmand vm1, vm6;
	(xrf0) =	vadd.scan.msk.s32 $0xffff, v12  }
0x175: {  	v15 =	vmpcnt.ones.xlane vm0;
	_ =	sdelay $0x1  }
0x176: {  	s0 =	sadd.s32 $0x20, s0;
	vm2 =	vmxor vm1, vm0;
	v14 =	vsel vm0, $0x1, v1;
	v15 =	vadd.s32 v11, v15  }
0x177: {  	v13 =	vld [tilespmem:s0+$0x0];
	(xrf0) =	vadd.scan.msk.s32 $0xffff, v14;
	v17 =	vmpcnt.ones.xlane vm2;
	v7 =	vadd.s32 v14, v7;
	v14 =	vmpcnt.ones.xlane vm3  }
0x178: {  	v12 =	vld [tilespmem:s0+$0xFFFFFFF0];
	v16 =	vsel vm2, $0x1, v1;
	v7 =	vadd.s32 v10, v7;
	v10, _, _ =	vpop (xrf0)  }
0x179: {  	s2 =	simm.s32 $0x30;
	(xrf0) =	vadd.scan.msk.s32 $0xffff, v16;
	v14 =	vadd.s32 v15, v14;
	v16 =	vadd.s32 v4, v17;
	v10 =	vadd.s32 v10, v15;
	v15, _, _ =	vpop (xrf0)  }
0x17a: {  	v18 =	vor.u32 s2, v0;
	v15 =	vadd.s32 v15, v16  }
0x17b: {  	vm1 =	vmmov vm5;
	vm5 =	vlt.s32 v18, v8;
	vm2 =	vmmov vm2  }
0x17c: {  	p1 =	sgt.s32 s31, $0x4;
	v17 =	vmpcnt.ones.xlane vm1;
	v19 =	vshra.s32 v13, $0x1F;
	v10 =	vadd.s32 $0xFFFFFFFF, v10  }
.Ltmp15:
0x17d: {  	v20 =	vshra.s32 v12, $0x1F;
	v19 =	vand.u32 $0x7FFFFFFF, v19;
	v18 =	vadd.s32 $0xFFFFFFFF, v15;
	v15, _, _ =	vpop (xrf0);
	(pc) =	sbr.rel @!p1 .LBB2_25-.Ltmp15, $4  }
0x17e: {  	v20 =	vand.u32 $0x7FFFFFFF, v20;
	v19 =	vxor.u32 v13, v19;
	v11 =	vadd.s32 v15, v11  }
0x17f: {  	v20 =	vxor.u32 v12, v20;
	vm4 =	vlt.s32 v19, v9;
	v15, _, _ =	vpop (xrf0);
	v19 =	vadd.s32 $0xFFFFFFFF, v11  }
0x180: {  	vm6 =	vlt.s32 v20, v9;
	vm4 =	vmand vm5, vm4;
	v11 =	vadd.s32 v15, v4  }
0x181: {  	s8 =	simm.s32 $0x4;
	s9 =	simm.s32 $0x20;
	p0 =	por $0x1, $0x1;
	vm5 =	vmxor vm5, vm4;
	[tilespmem:v10+s12+$0x0] =	vst.idx.msk vm3, v6;
	v10 =	vsel vm4, $0x1, v1;
	v15 =	vmovc v14;
	v20 =	vadd.s32 $0xFFFFFFFF, v11  }
.LBB2_26:
0x182: {  	s8 =	sadd.s32 $0x2, s8;
	v11 =	vor.u32 s9, v0;
	(xrf0) =	vadd.scan.msk.s32 $0xffff, v10;
	v21 =	vadd.s32 v16, v17  }
0x183: {  	p1 =	slt.s32 s8, s31;
	vm3 =	vlt.s32 v11, v8;
	v11 =	vsel vm5, $0x1, v1;
	[tilespmem:v18+s12+$0x0] =	vst.idx.msk vm1, v6;
	v6 =	vmovc v13;
	vm1 =	vmmov vm5  }
0x184: {  	(xrf0) =	vadd.scan.msk.s32 $0xffff, v11;
	[tilespmem:v19+s12+$0x0] =	vst.idx.msk vm0, v5;
	vm0 =	vmand vm3, vm6  }
0x185: {  	s0 =	sadd.s32 $0x20, s0;
	vm3 =	vmxor vm3, vm0;
	v11 =	vsel vm0, $0x1, v1;
	v16 =	vmpcnt.ones.xlane vm0  }
0x186: {  	v13 =	vld [tilespmem:s0+$0x0];
	v17 =	vsel vm3, $0x1, v1;
	v18 =	vmpcnt.ones.xlane vm3;
	(xrf0) =	vadd.scan.msk.s32 $0xffff, v11;
	[tilespmem:v20+s12+$0x0] =	vst.idx.msk vm2, v5;
	v5 =	vmovc v12  }
0x187: {  	v7 =	vadd.s32 v11, v7;
	v12 =	vld [tilespmem:s0+$0xFFFFFFF0];
	v11 =	vadd.s32 v14, v16;
	v14 =	vmpcnt.ones.xlane vm4;
	(xrf0) =	vadd.scan.msk.s32 $0xffff, v17  }
0x188: {  	s2 =	sadd.s32 $0x20, s2;
	vm2 =	vmmov vm3;
	v7 =	vadd.s32 v10, v7;
	v10, _, _ =	vpop (xrf0)  }
0x189: {  	v19 =	vor.u32 s2, v0;
	v10 =	vadd.s32 v10, v11;
	v14 =	vadd.s32 v11, v14  }
0x18a: {  	v17 =	vmpcnt.ones.xlane vm1;
	v16 =	vadd.s32 v21, v18;
	v10 =	vadd.s32 $0xFFFFFFFF, v10;
	v11, _, _ =	vpop (xrf0)  }
0x18b: {  	vm3 =	vlt.s32 v19, v8;
	v18 =	vshra.s32 v13, $0x1F;
	v23 =	vadd.s32 v11, v16  }
.Ltmp16:
0x18c: {  	v19 =	vshra.s32 v12, $0x1F;
	v20 =	vand.u32 $0x7FFFFFFF, v18;
	v18 =	vadd.s32 $0xFFFFFFFF, v23;
	v11, _, _ =	vpop (xrf0);
	(pc) =	sbr.rel @p1 .LBB2_26-.Ltmp16, $4  }
0x18d: {  	s9 =	sadd.s32 $0xFFFFFFF0, s2;
	v19 =	vand.u32 $0x7FFFFFFF, v19;
	v20 =	vxor.u32 v13, v20;
	v11 =	vadd.s32 v11, v15;
	v22, _, _ =	vpop (xrf0)  }
0x18e: {  	v15 =	vmovc v14;
	v23 =	vxor.u32 v12, v19;
	vm5 =	vlt.s32 v20, v9;
	v19 =	vadd.s32 $0xFFFFFFFF, v11  }
0x18f: {  	v11 =	vadd.s32 v22, v21;
	vm6 =	vlt.s32 v23, v9;
	[tilespmem:v10+s12+$0x0] =	vst.idx.msk vm4, v6;
	vm4 =	vmand vm3, vm5  }
0x190: {  	v20 =	vadd.s32 $0xFFFFFFFF, v11;
	vm5 =	vmxor vm3, vm4;
	v10 =	vsel vm4, $0x1, v1  }
0x191: {  	v21 =	vmov v6  }
0x192: {  	v9 =	vmovc v5;
	v6 =	vmovc v13;
	v5 =	vmov v12;
	v11 =	vmov v14;
	vm3 =	vmmov vm4  }
.LBB2_28:
0x193: {  	v12 =	vor.u32 s9, v0  }
0x194: {  	vm7 =	vlt.s32 v12, v8  }
0x195: {  	(xrf0) =	vadd.scan.msk.s32 $0xffff, v10;
	v8 =	vsel vm5, $0x1, v1;
	vm4 =	vmand vm7, vm6  }
0x196: {  	(xrf0) =	vadd.scan.msk.s32 $0xffff, v8;
	vm6 =	vmxor vm7, vm4;
	v8 =	vsel vm4, $0x1, v1  }
0x197: {  	v58 =	vsel vm6, $0x1, v1;
	(xrf0) =	vadd.scan.msk.s32 $0xffff, v8  }
0x198: {  	(xrf0) =	vadd.scan.msk.s32 $0xffff, v58  }
0x199: {  	v59 =	vmpcnt.ones.xlane vm4  }
0x19a: {  	v13 =	vadd.s32 @p0 v16, v17;
	v14 =	vmpcnt.ones.xlane vm6  }
0x19b: {  	v4 =	vpsel p0, v13, v4;
	v11 =	vadd.s32 v11, v59;
	v60, _, _ =	vpop (xrf0)  }
0x19c: {  	v13 =	vadd.s32 v4, v14;
	v12 =	vadd.s32 v60, v11;
	v61, _, _ =	vpop (xrf0)  }
0x19d: {  	vm14 =	vmmov vm5;
	v12 =	vadd.s32 $0xFFFFFFFF, v12;
	v14 =	vadd.s32 v61, v13;
	v62, _, _ =	vpop (xrf0)  }
0x19e: {  	v14 =	vadd.s32 $0xFFFFFFFF, v14;
	v15 =	vadd.s32 v62, v15;
	v63, _, _ =	vpop (xrf0)  }
0x19f: {  	[tilespmem:v18+s12+$0x0] =	vst.idx.msk @p0 vm1, v21;
	v15 =	vadd.s32 $0xFFFFFFFF, v15;
	v4 =	vadd.s32 v63, v4  }
0x1a0: {  	[tilespmem:v19+s12+$0x0] =	vst.idx.msk @p0 vm0, v9;
	v16 =	vadd.s32 $0xFFFFFFFF, v4  }
.Ltmp17:
0x1a1: {  	[tilespmem:v20+s12+$0x0] =	vst.idx.msk @p0 vm2, v9;
	(pc) =	sbr.rel .LBB2_19-.Ltmp17, $4  }
0x1a2: {  	[tilespmem:v12+s12+$0x0] =	vst.idx.msk vm3, v6  }
0x1a3: {  	v4 =	vadd.s32 v8, v7;
	v7 =	vmpcnt.ones.xlane vm3;
	v8 =	vmpcnt.ones.xlane vm14;
	[tilespmem:v14+s12+$0x0] =	vst.idx.msk vm14, v6  }
0x1a4: {  	v6 =	vadd.s32 v10, v4;
	[tilespmem:v15+s12+$0x0] =	vst.idx.msk vm4, v5  }
0x1a5: {  	vm15 =	vmmov vm6;
	v11 =	vadd.s32 v11, v7;
	v4 =	vadd.s32 v13, v8;
	[tilespmem:v16+s12+$0x0] =	vst.idx.msk vm6, v5  }
.LBB2_23:
.Ltmp18:
0x1a6: {  	(pc) =	sbr.rel .LBB2_28-.Ltmp18, $2  }
0x1a7: {  	_ =	sdelay $0x2  }
0x1a8: {  	v15 =	vmov v11  }
.LBB2_25:
.Ltmp19:
0x1a9: {  	(pc) =	sbr.rel .LBB2_28-.Ltmp19, $3  }
0x1aa: {  	_ =	sdelay $0x1  }
0x1ab: {  	v21 =	vmov v6;
	v9 =	vmov v5  }
0x1ac: {  	v6 =	vmovc v13;
	v5 =	vmovc v12;
	v11 =	vmov v14;
	vm3 =	vmmov vm4;
	v15 =	vmov v14  }
.LBB2_15:
.Ltmp20:
0x1ad: {  	(pc) =	sbr.rel .LBB2_21-.Ltmp20, $2  }
0x1ae: {  	_ =	sdelay $0x2  }
0x1af: {  	s0 =	simm.s32 $0x0  }
.LBB2_20:
0x1b0: {  	p0 =	sgt.s32 s22, $0x10  }
.Ltmp21:
0x1b1: {  	_ = 	snop;
	(pc) =	sbr.rel @p0 .LBB2_29-.Ltmp21, $1  }
0x1b2: {  	_ =	sdelay $0x3  }
.LBB2_21:
0x1b3: {  	v4 =	vld [tilespmem:s0+$0x4000];
	_ =	sdelay $0x4  }
0x1b4: {  	v5 =	vshra.s32 v4, $0x1F  }
0x1b5: {  	v6 =	vmov s22;
	v5 =	vand.u32 $0x7FFFFFFF, v5  }
0x1b6: {  	vm0 =	vgt.s32 v6, v0;
	v4 =	vxor.u32 v4, v5  }
0x1b7: {  	v4 =	vnsel vm0, $0x7FFFFFFF, v4  }
0x1b8: {  	(xrf1) =	vsort.ascd.msk.u32 $0xffff, v4, v4;
	_ =	sdelay $0xd  }
0x1b9: {  	v5 =	vmov s21;
	v4, _, _ =	vpop (xrf1)  }
.Ltmp22:
0x1ba: {  	v4 =	vperm.xlane v4, v5;
	(pc) =	sbr.rel .LBB2_30-.Ltmp22, $4  }
0x1bb: {  	_ = 	snop  }
0x1bc: {  	v5 =	vshra.s32 v4, $0x1F  }
0x1bd: {  	v5 =	vand.u32 $0x7FFFFFFF, v5  }
0x1be: {  	v4 =	vxor.u32 v4, v5  }
.LBB2_7:
0x1bf: {  	v17 =	vimm.s32 $0x0  }
.Ltmp23:
0x1c0: {  	v18 =	vimm.s32 $0x0;
	v20 =	vimm.s32 $0x0;
	v19 =	vimm.s32 $0x0;
	(pc) =	sbr.rel .LBB2_12-.Ltmp23, $4  }
0x1c1: {  	v21 =	vimm.s32 $0x0;
	v4 =	vimm.s32 $0x0;
	v6 =	vimm.s32 $0x0  }
0x1c2: {  	v7 =	vimm.s32 $0x0;
	v8 =	vimm.s32 $0x0;
	v10 =	vimm.s32 $0x0  }
0x1c3: {  	v11 =	vimm.s32 $0x0;
	v12 =	vimm.s32 $0x0;
	v13 =	vimm.s32 $0x0  }
0x1c4: {  	v14 =	vimm.s32 $0x0;
	v15 =	vimm.s32 $0x0;
	v16 =	vimm.s32 $0x0  }
.LBB2_9:
.Ltmp24:
0x1c5: {  	(pc) =	sbr.rel .LBB2_12-.Ltmp24, $3  }
0x1c6: {  	_ =	sdelay $0x1  }
0x1c7: {  	v17 =	vimm.s32 $0x0;
	v18 =	vimm.s32 $0x0  }
0x1c8: {  	s22 =	simm.s32 $0x100;
	v20 =	vimm.s32 $0x0;
	v19 =	vimm.s32 $0x0;
	v21 =	vimm.s32 $0x0  }
.LBB2_32:
0x1c9: {  	_ =	sfence.sel $0x180000  }
0x1ca: {  	[bflag:$0x0] =	sbarrier.arrive $0xFFFF  }
0x1cb: {  	_ =	strace $0x90000047  }
0x1cc: {  	s0 =	stileid.u32;
	[bflag:$0x2] =	sbarrier.arrive $0xFFFF  }
0x1cd: {  	p0 =	sne.s32 s0, $0x0;
	s0 =	rddreg [dreg:$0x2]  }
0x1ce: {  	s0 =	sadd.s32 @!p0 $0x100000, s0  }
0x1cf: {  	[sflag:s0] =	ssyncadd.tile.s32 @!p0 $0x1;
	_ =	shalt  }
.Lfunc_end2:
_tile_overlayer_lowered:
.L_overlay_start_2:
0x1d0: {  	(tag) =	ssettag $0x2  }
0x1d1: {  	s0 =	rddreg [dreg:$0x0];
	s2 =	stileid.u32  }
0x1d2: {  	s1 =	rddreg [dreg:$0x1];
	p0 =	sne.s32 s2, $0x0  }
0x1d3: {  	s3 =	rddreg [dreg:$0x2];
	[bflag:$0x3] =	sbarrier.arrive $0xFFFF;
	s2 =	simm.s32 @!p0 $0x1C02  }
0x1d4: {  	[timem:s3], [sflag:s2] =	dma.local @!p0 [hbm:s0], s1  }
0x1d5: {  	s0 =	simm.s32 @!p0 $0x2  }
0x1d6: {  	_ =	swait.ge @!p0 [sflag:s0], s1  }
0x1d7: {  	s1 =	ssub.s32 @!p0 $0x0, s1;
	[sflag:s0] =	ssyncset.done @!p0 $0x0  }
0x1d8: {  	[sflag:s0] =	ssyncadd.s32 @!p0 s1  }
0x1d9: {  	[bflag:$0x3] =	sbarrier.arrive $0xFFFF  }
0x1da: {  	_ =	shalt  }

</sc_bundles>
